<compile_context>
chip_gen: v7x
topology: tpu7x:2x2x1
jax: 0.10.2.dev20260603
libtpu: 0.0.44.dev20260713+nightly
codegen_flags: <defaults>
</compile_context>

<pallas_src>
import functools

import jax
import jax.numpy as jnp
from jax import lax
from jax.experimental import pallas as pl
from jax.experimental.pallas import tpu as pltpu
from jax.experimental.pallas import tpu_sc as plsc

_BM = 1024
_BN = 16384


def _argmax_body(a_ref, bt_ref, colf_ref, out_ref, tab_ref, best_val, best_idx,
                 btaug_s):
    i = pl.program_id(0)
    j = pl.program_id(1)
    nj = pl.num_programs(1)

    @pl.when(jnp.logical_and(i == 0, j == 0))
    def _prep():
        bt = bt_ref[...]
        b2 = jnp.sum(bt * bt, axis=0, keepdims=True)
        btaug_s[0:16, :] = bt.astype(jnp.bfloat16)
        btaug_s[16:17, :] = b2.astype(jnp.bfloat16)

    @pl.when(j == 0)
    def _init():
        best_val[...] = jnp.full((_BM, 1), -jnp.inf, jnp.float32)
        best_idx[...] = jnp.zeros((_BM, 1), jnp.float32)
        tab_ref[:, 0:16] = a_ref[...]

    a = (-2.0 * a_ref[...]).astype(jnp.bfloat16)
    a_aug = jnp.concatenate([a, jnp.ones((_BM, 1), jnp.bfloat16)], axis=1)
    scores = lax.dot_general(a_aug, btaug_s[0:17, :], (((1,), (0,)), ((), ())),
                             preferred_element_type=jnp.float32)

    lane_f = colf_ref[...]
    val = scores[:, 0:128]
    idx = jnp.broadcast_to(lane_f, (_BM, 128))
    for c in range(1, _BN // 128):
        chunk = scores[:, c * 128:(c + 1) * 128]
        upd = chunk > val
        val = jnp.maximum(chunk, val)
        idx = jnp.where(upd, lane_f + jnp.float32(c * 128), idx)
    m = jnp.max(val, axis=1, keepdims=True)
    cand = jnp.where(val == m, idx, jnp.inf)
    amax = (jnp.min(cand, axis=1, keepdims=True)
            + jnp.float32(_BN) * jnp.float32(j))

    is_diag = j == (i * _BM) // _BN
    row_f = (jnp.float32(_BM) * jnp.float32(i)
             + lax.broadcasted_iota(jnp.int32, (_BM, 1), 0).astype(jnp.float32))
    m = jnp.where(is_diag, jnp.inf, m)
    amax = jnp.where(is_diag, row_f, amax)

    upd = m > best_val[...]
    best_val[...] = jnp.where(upd, m, best_val[...])
    best_idx[...] = jnp.where(upd, amax, best_idx[...])

    @pl.when(j == nj - 1)
    def _emit():
        out_ref[...] = best_idx[...].astype(jnp.int32)


def _nn_argmax(batch):
    B, D = batch.shape
    bt = batch.T
    out = pl.pallas_call(
        _argmax_body,
        grid=(B // _BM, B // _BN),
        in_specs=[
            pl.BlockSpec((_BM, D), lambda i, j: (i, 0)),
            pl.BlockSpec((D, _BN), lambda i, j: (0, j)),
            pl.BlockSpec((1, 128), lambda i, j: (0, 0)),
        ],
        out_specs=[
            pl.BlockSpec((_BM, 1), lambda i, j: (i, 0)),
            pl.BlockSpec((_BM, 128), lambda i, j: (i, 0)),
        ],
        out_shape=[
            jax.ShapeDtypeStruct((B, 1), jnp.int32),
            jax.ShapeDtypeStruct((B, 128), jnp.float32),
        ],
        scratch_shapes=[
            pltpu.VMEM((_BM, 1), jnp.float32),
            pltpu.VMEM((_BM, 1), jnp.float32),
            pltpu.VMEM((24, _BN), jnp.bfloat16),
        ],
        compiler_params=pltpu.CompilerParams(
            dimension_semantics=("arbitrary", "arbitrary"),
            allow_input_fusion=[False, True, False]),
    )(batch, bt, jnp.arange(128, dtype=jnp.float32)[None, :])
    return out[0][:, 0], out[1]


def _sc_gather(table, idx):
    B, D = table.shape
    info = plsc.get_sparse_core_info()
    nw = info.num_cores * info.num_subcores
    b_per_w = B // nw
    chunk = 128
    nchunk = b_per_w // chunk
    mesh = plsc.VectorSubcoreMesh(core_axis_name="c", subcore_axis_name="s")

    @functools.partial(
        pl.kernel, mesh=mesh,
        out_type=jax.ShapeDtypeStruct((B, D), jnp.float32),
        scratch_types=[
            pltpu.VMEM((b_per_w,), jnp.int32),
            pltpu.VMEM((b_per_w, D), jnp.float32),
            pltpu.SemaphoreType.DMA,
        ],
    )
    def k(table_hbm, idx_hbm, out_hbm, idx_v, rows_v, sem):
        wid = lax.axis_index("s") * info.num_cores + lax.axis_index("c")
        base = wid * b_per_w
        pltpu.sync_copy(idx_hbm.at[pl.ds(base, b_per_w)], idx_v)
        copies = [
            pltpu.async_copy(
                table_hbm.at[idx_v.at[pl.ds(t * chunk, chunk)]],
                rows_v.at[pl.ds(t * chunk, chunk)],
                sem,
            )
            for t in range(nchunk)
        ]
        for c in copies:
            c.wait()
        pltpu.sync_copy(rows_v, out_hbm.at[pl.ds(base, b_per_w)])

    return k(table, idx)


def kernel(batch, queue):
    del queue
    B, D = batch.shape
    idx, table = _nn_argmax(batch)
    return _sc_gather(table, idx)[:, :D]

# --- scband reference (transcript-rebuilt; emitter-appended) ---
"""Pipeline reference for scband-nearest-neighbor-sampler-12017318494554 (READ-ONLY COPY).

The authoritative reference and input builder live on the scoring server;
editing this copy changes nothing except your own understanding.
"""

import jax, jax.numpy as jnp
import numpy as np

MAX_SIZE = 32768
NUM_NEIGHBORS = 1


def pairwise_euclidean(a, b):
    a2 = jnp.sum(a * a, axis=1, keepdims=True)
    b2 = jnp.sum(b * b, axis=1)[None, :]
    d2 = a2 + b2 - 2.0 * (a @ b.T)
    return jnp.sqrt(jnp.maximum(d2, 0.0))


def setup_inputs(seed: int = 0) -> dict:
    key = jax.random.key(seed)
    batch = jax.random.normal(key, (16384, 16), dtype=jnp.float32)
    # fresh module buffer: zeros, logical queue_size = 0 before first forward
    queue = jnp.zeros((MAX_SIZE, 16), dtype=jnp.float32)
    return {"batch": batch, "queue": queue}


def reference(batch, queue):
    B = batch.shape[0]
    # Queue.forward: enqueue batch (FIFO), then return the valid slice.
    new_queue = jnp.concatenate([batch, queue], axis=0)[:MAX_SIZE]
    queue_size = min(0 + B, MAX_SIZE)  # queue_size was 0 on a fresh module
    data_queue = new_queue[:queue_size]
    # pairwise euclidean distances between batch and queue contents
    distances = pairwise_euclidean(batch, data_queue)
    # queue not frozen -> mask the self-match diagonal with +inf
    n = int(np.min(np.array(distances.shape)))
    diag = jnp.arange(n)
    distances = distances.at[diag, diag].set(jnp.inf)
    k = min(NUM_NEIGHBORS, data_queue.shape[0])
    # torch.topk default largest=True -- translated faithfully
    _, knn_index = jax.lax.top_k(distances, k)
    neighbor_index = knn_index[:, 0]  # num_neighbors == 1 branch
    return jnp.take(data_queue, neighbor_index, axis=0)

if __name__ == "__main__":
    import jax
    _d = setup_inputs()
    print(jax.jit(kernel)(*tuple(_d.values())))

</pallas_src>

<mosaic_0001>
#map = affine_map<(d0, d1) -> (0, 0)>
#map1 = affine_map<(d0, d1) -> (0)>
module attributes {stable_mosaic.version = 14 : i64} {
  func.func @k(%arg0: i32, %arg1: i32, %arg2: memref<16384x128xf32, #tpu.memory_space<hbm>>, %arg3: memref<16384xi32, #tpu.memory_space<hbm>>, %arg4: memref<16384x128xf32, #tpu.memory_space<hbm>>, %arg5: memref<512xi32, #tpu.memory_space<vmem>>, %arg6: memref<512x128xf32, #tpu.memory_space<vmem>>, %arg7: memref<!tpu.dma_semaphore, #tpu.memory_space<semaphore_mem>>) attributes {dimension_semantics = [#tpu.dimension_semantics<core_parallel>, #tpu.dimension_semantics<subcore_parallel>], iteration_bounds = array<i64: 2, 16>, scalar_prefetch = 0 : i64, scratch_operands = 3 : i64, tpu.core_type = #tpu.core_type<sc_vector_subcore>, window_params = [{transform_indices = #map}, {transform_indices = #map1}, {transform_indices = #map}]} {
    %mul3A = arith.constant 2 : i32
    %mul3A_0 = arith.muli %arg1, %mul3A : i32
    %add3A = arith.addi %mul3A_0, %arg0 : i32
    %mul3A_1 = arith.constant 512 : i32
    %mul3A_2 = arith.muli %add3A, %mul3A_1 : i32
    "tpu.region"() ({
      %run_scoped3A = tpu.sem_alloc : memref<!tpu.dma_semaphore, #tpu.memory_space<semaphore_mem>>
      %dma_start3A_65 = tpu.memref_slice %arg3[%mul3A_2] : memref<16384xi32, #tpu.memory_space<hbm>> -> memref<512xi32, #tpu.memory_space<hbm>>
      %dma_start3A_66 = tpu.memref_slice %arg3[%mul3A_2] : memref<16384xi32, #tpu.memory_space<hbm>> -> memref<512xi32, #tpu.memory_space<hbm>>
      tpu.enqueue_dma source(%dma_start3A_66 : memref<512xi32, #tpu.memory_space<hbm>>) target(%arg5 : memref<512xi32, #tpu.memory_space<vmem>>) target_semaphore(%run_scoped3A : memref<!tpu.dma_semaphore, #tpu.memory_space<semaphore_mem>>)
      %dma_wait3A_67 = tpu.memref_slice %arg3[%mul3A_2] : memref<16384xi32, #tpu.memory_space<hbm>> -> memref<512xi32, #tpu.memory_space<hbm>>
      %dma_wait3A_68 = tpu.memref_slice %arg3[%mul3A_2] : memref<16384xi32, #tpu.memory_space<hbm>> -> memref<512xi32, #tpu.memory_space<hbm>>
      tpu.wait_dma2 semaphore(%run_scoped3A : memref<!tpu.dma_semaphore, #tpu.memory_space<semaphore_mem>>) src(%dma_wait3A_68 : memref<512xi32, #tpu.memory_space<hbm>>) dst(%arg5 : memref<512xi32, #tpu.memory_space<vmem>>)
      tpu.yield
    }) : () -> ()
    %dma_start3A = arith.constant 0 : i32
    %dma_start3A_3 = arith.constant 0 : i32
    %dma_start3A_4 = tpu.memref_slice %arg6[%dma_start3A, %dma_start3A_3] : memref<512x128xf32, #tpu.memory_space<vmem>> -> memref<128x128xf32, #tpu.memory_space<vmem>>
    %dma_start3A_5 = arith.constant 0 : i32
    %dma_start3A_6 = tpu.memref_slice %arg5[%dma_start3A_5] : memref<512xi32, #tpu.memory_space<vmem>> -> memref<128xi32, #tpu.memory_space<vmem>>
    %dma_start3A_7 = arith.constant 0 : i32
    %dma_start3A_8 = arith.constant 0 : i32
    %dma_start3A_9 = tpu.memref_slice %arg2[%dma_start3A_7, %dma_start3A_8] : memref<16384x128xf32, #tpu.memory_space<hbm>> -> memref<16384x128xf32, #tpu.memory_space<hbm>>
    tpu.enqueue_indirect_dma source(%dma_start3A_9 : memref<16384x128xf32, #tpu.memory_space<hbm>>) target(%dma_start3A_4 : memref<128x128xf32, #tpu.memory_space<vmem>>) offsets(%dma_start3A_6 : memref<128xi32, #tpu.memory_space<vmem>>) semaphore(%arg7 : memref<!tpu.dma_semaphore, #tpu.memory_space<semaphore_mem>>)
    %dma_start3A_10 = arith.constant 128 : i32
    %dma_start3A_11 = arith.constant 0 : i32
    %dma_start3A_12 = tpu.memref_slice %arg6[%dma_start3A_10, %dma_start3A_11] : memref<512x128xf32, #tpu.memory_space<vmem>> -> memref<128x128xf32, #tpu.memory_space<vmem>>
    %dma_start3A_13 = arith.constant 128 : i32
    %dma_start3A_14 = tpu.memref_slice %arg5[%dma_start3A_13] : memref<512xi32, #tpu.memory_space<vmem>> -> memref<128xi32, #tpu.memory_space<vmem>>
    %dma_start3A_15 = arith.constant 0 : i32
    %dma_start3A_16 = arith.constant 0 : i32
    %dma_start3A_17 = tpu.memref_slice %arg2[%dma_start3A_15, %dma_start3A_16] : memref<16384x128xf32, #tpu.memory_space<hbm>> -> memref<16384x128xf32, #tpu.memory_space<hbm>>
    tpu.enqueue_indirect_dma source(%dma_start3A_17 : memref<16384x128xf32, #tpu.memory_space<hbm>>) target(%dma_start3A_12 : memref<128x128xf32, #tpu.memory_space<vmem>>) offsets(%dma_start3A_14 : memref<128xi32, #tpu.memory_space<vmem>>) semaphore(%arg7 : memref<!tpu.dma_semaphore, #tpu.memory_space<semaphore_mem>>)
    %dma_start3A_18 = arith.constant 256 : i32
    %dma_start3A_19 = arith.constant 0 : i32
    %dma_start3A_20 = tpu.memref_slice %arg6[%dma_start3A_18, %dma_start3A_19] : memref<512x128xf32, #tpu.memory_space<vmem>> -> memref<128x128xf32, #tpu.memory_space<vmem>>
    %dma_start3A_21 = arith.constant 256 : i32
    %dma_start3A_22 = tpu.memref_slice %arg5[%dma_start3A_21] : memref<512xi32, #tpu.memory_space<vmem>> -> memref<128xi32, #tpu.memory_space<vmem>>
    %dma_start3A_23 = arith.constant 0 : i32
    %dma_start3A_24 = arith.constant 0 : i32
    %dma_start3A_25 = tpu.memref_slice %arg2[%dma_start3A_23, %dma_start3A_24] : memref<16384x128xf32, #tpu.memory_space<hbm>> -> memref<16384x128xf32, #tpu.memory_space<hbm>>
    tpu.enqueue_indirect_dma source(%dma_start3A_25 : memref<16384x128xf32, #tpu.memory_space<hbm>>) target(%dma_start3A_20 : memref<128x128xf32, #tpu.memory_space<vmem>>) offsets(%dma_start3A_22 : memref<128xi32, #tpu.memory_space<vmem>>) semaphore(%arg7 : memref<!tpu.dma_semaphore, #tpu.memory_space<semaphore_mem>>)
    %dma_start3A_26 = arith.constant 384 : i32
    %dma_start3A_27 = arith.constant 0 : i32
    %dma_start3A_28 = tpu.memref_slice %arg6[%dma_start3A_26, %dma_start3A_27] : memref<512x128xf32, #tpu.memory_space<vmem>> -> memref<128x128xf32, #tpu.memory_space<vmem>>
    %dma_start3A_29 = arith.constant 384 : i32
    %dma_start3A_30 = tpu.memref_slice %arg5[%dma_start3A_29] : memref<512xi32, #tpu.memory_space<vmem>> -> memref<128xi32, #tpu.memory_space<vmem>>
    %dma_start3A_31 = arith.constant 0 : i32
    %dma_start3A_32 = arith.constant 0 : i32
    %dma_start3A_33 = tpu.memref_slice %arg2[%dma_start3A_31, %dma_start3A_32] : memref<16384x128xf32, #tpu.memory_space<hbm>> -> memref<16384x128xf32, #tpu.memory_space<hbm>>
    tpu.enqueue_indirect_dma source(%dma_start3A_33 : memref<16384x128xf32, #tpu.memory_space<hbm>>) target(%dma_start3A_28 : memref<128x128xf32, #tpu.memory_space<vmem>>) offsets(%dma_start3A_30 : memref<128xi32, #tpu.memory_space<vmem>>) semaphore(%arg7 : memref<!tpu.dma_semaphore, #tpu.memory_space<semaphore_mem>>)
    %dma_wait3A = arith.constant 0 : i32
    %dma_wait3A_34 = arith.constant 0 : i32
    %dma_wait3A_35 = tpu.memref_slice %arg6[%dma_wait3A, %dma_wait3A_34] : memref<512x128xf32, #tpu.memory_space<vmem>> -> memref<128x128xf32, #tpu.memory_space<vmem>>
    %dma_wait3A_36 = arith.constant 0 : i32
    %dma_wait3A_37 = tpu.memref_slice %arg5[%dma_wait3A_36] : memref<512xi32, #tpu.memory_space<vmem>> -> memref<128xi32, #tpu.memory_space<vmem>>
    %dma_wait3A_38 = arith.constant 0 : i32
    %dma_wait3A_39 = arith.constant 0 : i32
    %dma_wait3A_40 = tpu.memref_slice %arg2[%dma_wait3A_38, %dma_wait3A_39] : memref<16384x128xf32, #tpu.memory_space<hbm>> -> memref<16384x128xf32, #tpu.memory_space<hbm>>
    tpu.wait_indirect_dma semaphore(%arg7 : memref<!tpu.dma_semaphore, #tpu.memory_space<semaphore_mem>>) src(%dma_wait3A_40 : memref<16384x128xf32, #tpu.memory_space<hbm>>) dst(%dma_wait3A_35 : memref<128x128xf32, #tpu.memory_space<vmem>>)
    %dma_wait3A_41 = arith.constant 128 : i32
    %dma_wait3A_42 = arith.constant 0 : i32
    %dma_wait3A_43 = tpu.memref_slice %arg6[%dma_wait3A_41, %dma_wait3A_42] : memref<512x128xf32, #tpu.memory_space<vmem>> -> memref<128x128xf32, #tpu.memory_space<vmem>>
    %dma_wait3A_44 = arith.constant 128 : i32
    %dma_wait3A_45 = tpu.memref_slice %arg5[%dma_wait3A_44] : memref<512xi32, #tpu.memory_space<vmem>> -> memref<128xi32, #tpu.memory_space<vmem>>
    %dma_wait3A_46 = arith.constant 0 : i32
    %dma_wait3A_47 = arith.constant 0 : i32
    %dma_wait3A_48 = tpu.memref_slice %arg2[%dma_wait3A_46, %dma_wait3A_47] : memref<16384x128xf32, #tpu.memory_space<hbm>> -> memref<16384x128xf32, #tpu.memory_space<hbm>>
    tpu.wait_indirect_dma semaphore(%arg7 : memref<!tpu.dma_semaphore, #tpu.memory_space<semaphore_mem>>) src(%dma_wait3A_48 : memref<16384x128xf32, #tpu.memory_space<hbm>>) dst(%dma_wait3A_43 : memref<128x128xf32, #tpu.memory_space<vmem>>)
    %dma_wait3A_49 = arith.constant 256 : i32
    %dma_wait3A_50 = arith.constant 0 : i32
    %dma_wait3A_51 = tpu.memref_slice %arg6[%dma_wait3A_49, %dma_wait3A_50] : memref<512x128xf32, #tpu.memory_space<vmem>> -> memref<128x128xf32, #tpu.memory_space<vmem>>
    %dma_wait3A_52 = arith.constant 256 : i32
    %dma_wait3A_53 = tpu.memref_slice %arg5[%dma_wait3A_52] : memref<512xi32, #tpu.memory_space<vmem>> -> memref<128xi32, #tpu.memory_space<vmem>>
    %dma_wait3A_54 = arith.constant 0 : i32
    %dma_wait3A_55 = arith.constant 0 : i32
    %dma_wait3A_56 = tpu.memref_slice %arg2[%dma_wait3A_54, %dma_wait3A_55] : memref<16384x128xf32, #tpu.memory_space<hbm>> -> memref<16384x128xf32, #tpu.memory_space<hbm>>
    tpu.wait_indirect_dma semaphore(%arg7 : memref<!tpu.dma_semaphore, #tpu.memory_space<semaphore_mem>>) src(%dma_wait3A_56 : memref<16384x128xf32, #tpu.memory_space<hbm>>) dst(%dma_wait3A_51 : memref<128x128xf32, #tpu.memory_space<vmem>>)
    %dma_wait3A_57 = arith.constant 384 : i32
    %dma_wait3A_58 = arith.constant 0 : i32
    %dma_wait3A_59 = tpu.memref_slice %arg6[%dma_wait3A_57, %dma_wait3A_58] : memref<512x128xf32, #tpu.memory_space<vmem>> -> memref<128x128xf32, #tpu.memory_space<vmem>>
    %dma_wait3A_60 = arith.constant 384 : i32
    %dma_wait3A_61 = tpu.memref_slice %arg5[%dma_wait3A_60] : memref<512xi32, #tpu.memory_space<vmem>> -> memref<128xi32, #tpu.memory_space<vmem>>
    %dma_wait3A_62 = arith.constant 0 : i32
    %dma_wait3A_63 = arith.constant 0 : i32
    %dma_wait3A_64 = tpu.memref_slice %arg2[%dma_wait3A_62, %dma_wait3A_63] : memref<16384x128xf32, #tpu.memory_space<hbm>> -> memref<16384x128xf32, #tpu.memory_space<hbm>>
    tpu.wait_indirect_dma semaphore(%arg7 : memref<!tpu.dma_semaphore, #tpu.memory_space<semaphore_mem>>) src(%dma_wait3A_64 : memref<16384x128xf32, #tpu.memory_space<hbm>>) dst(%dma_wait3A_59 : memref<128x128xf32, #tpu.memory_space<vmem>>)
    "tpu.region"() ({
      %run_scoped3A = tpu.sem_alloc : memref<!tpu.dma_semaphore, #tpu.memory_space<semaphore_mem>>
      %dma_start3A_65 = arith.constant 0 : i32
      %dma_start3A_66 = tpu.memref_slice %arg4[%mul3A_2, %dma_start3A_65] : memref<16384x128xf32, #tpu.memory_space<hbm>> -> memref<512x128xf32, #tpu.memory_space<hbm>>
      %dma_start3A_67 = arith.constant 0 : i32
      %dma_start3A_68 = tpu.memref_slice %arg4[%mul3A_2, %dma_start3A_67] : memref<16384x128xf32, #tpu.memory_space<hbm>> -> memref<512x128xf32, #tpu.memory_space<hbm>>
      tpu.enqueue_dma source(%arg6 : memref<512x128xf32, #tpu.memory_space<vmem>>) target(%dma_start3A_68 : memref<512x128xf32, #tpu.memory_space<hbm>>) target_semaphore(%run_scoped3A : memref<!tpu.dma_semaphore, #tpu.memory_space<semaphore_mem>>)
      %dma_wait3A_69 = arith.constant 0 : i32
      %dma_wait3A_70 = tpu.memref_slice %arg4[%mul3A_2, %dma_wait3A_69] : memref<16384x128xf32, #tpu.memory_space<hbm>> -> memref<512x128xf32, #tpu.memory_space<hbm>>
      %dma_wait3A_71 = arith.constant 0 : i32
      %dma_wait3A_72 = tpu.memref_slice %arg4[%mul3A_2, %dma_wait3A_71] : memref<16384x128xf32, #tpu.memory_space<hbm>> -> memref<512x128xf32, #tpu.memory_space<hbm>>
      tpu.wait_dma2 semaphore(%run_scoped3A : memref<!tpu.dma_semaphore, #tpu.memory_space<semaphore_mem>>) src(%arg6 : memref<512x128xf32, #tpu.memory_space<vmem>>) dst(%dma_wait3A_72 : memref<512x128xf32, #tpu.memory_space<hbm>>)
      tpu.yield
    }) : () -> ()
    return
  }
}

module attributes {stable_mosaic.version = 14 : i64} {
  func.func @_argmax_body(%arg0: i32, %arg1: i32, %arg2: memref<1024x16xf32, #tpu.memory_space<vmem>>, %arg3: memref<16x16384xf32, #tpu.memory_space<vmem>>, %arg4: memref<1x128xf32, #tpu.memory_space<vmem>>, %arg5: memref<1024x1xi32, #tpu.memory_space<vmem>>, %arg6: memref<1024x128xf32, #tpu.memory_space<vmem>>, %arg7: memref<1024x1xf32, #tpu.memory_space<vmem>>, %arg8: memref<1024x1xf32, #tpu.memory_space<vmem>>, %arg9: memref<24x16384xbf16, #tpu.memory_space<vmem>>) attributes {dimension_semantics = [#tpu.dimension_semantics<arbitrary>, #tpu.dimension_semantics<arbitrary>], iteration_bounds = array<i64: 16, 1>, scalar_prefetch = 0 : i64, scratch_operands = 3 : i64, tpu.core_type = #tpu.core_type<tc>, window_params = [{transform_indices = @transform_0, window_bounds = array<i64: 1024, 16>}, {transform_indices = @transform_1, window_bounds = array<i64: 16, 16384>}, {pipeline_mode = #tpu.pipeline_mode<synchronous>, transform_indices = @transform_2, window_bounds = array<i64: 1, 128>}, {transform_indices = @transform_3, window_bounds = array<i64: 1024, 1>}, {transform_indices = @transform_4, window_bounds = array<i64: 1024, 128>}]} {
    %eq3A = arith.constant 0 : i32
    %eq3A_0 = arith.cmpi eq, %arg0, %eq3A : i32
    %eq3A_1 = arith.constant 0 : i32
    %eq3A_2 = arith.cmpi eq, %arg1, %eq3A_1 : i32
    %and3A = arith.andi %eq3A_0, %eq3A_2 : i1
    %convert_element_type3A = arith.extui %and3A : i1 to i32
    %cond3A = arith.constant 0 : i32
    %cond3A_3 = arith.cmpi ne, %convert_element_type3A, %cond3A : i32
    scf.if %cond3A_3 {
      %get3A_1230 = arith.constant 0 : index
      %get3A_1231 = arith.constant 0 : index
      %get3A_1232 = vector.load %arg3[%get3A_1230, %get3A_1231] : memref<16x16384xf32, #tpu.memory_space<vmem>>, vector<16x16384xf32>
      %mul3A_1233 = arith.mulf %get3A_1232, %get3A_1232 : vector<16x16384xf32>
      %reduce_sum3A = arith.constant dense<0.000000e+00> : vector<16384xf32>
      %reduce_sum3A_1234 = vector.multi_reduction <add>, %mul3A_1233, %reduce_sum3A [0] : vector<16x16384xf32> to vector<16384xf32>
      %broadcast_in_dim3A_1235 = vector.shape_cast %reduce_sum3A_1234 : vector<16384xf32> to vector<1x16384xf32>
      %convert_element_type3A_1236 = arith.truncf %get3A_1232 : vector<16x16384xf32> to vector<16x16384xbf16>
      %swap3A_1237 = arith.constant 0 : index
      %swap3A_1238 = arith.constant 0 : index
      %swap3A_1239 = vector.load %arg9[%swap3A_1237, %swap3A_1238] : memref<24x16384xbf16, #tpu.memory_space<vmem>>, vector<16x16384xbf16>
      tpu.vector_store %arg9[%swap3A_1237, %swap3A_1238], %convert_element_type3A_1236 {strides = array<i32>} : memref<24x16384xbf16, #tpu.memory_space<vmem>>, vector<16x16384xbf16>,
      %convert_element_type3A_1240 = arith.truncf %broadcast_in_dim3A_1235 : vector<1x16384xf32> to vector<1x16384xbf16>
      %swap3A_1241 = arith.constant 16 : index
      %swap3A_1242 = arith.constant 0 : index
      %swap3A_1243 = vector.load %arg9[%swap3A_1241, %swap3A_1242] : memref<24x16384xbf16, #tpu.memory_space<vmem>>, vector<1x16384xbf16>
      tpu.vector_store %arg9[%swap3A_1241, %swap3A_1242], %convert_element_type3A_1240 {strides = array<i32>} : memref<24x16384xbf16, #tpu.memory_space<vmem>>, vector<1x16384xbf16>,
    } else {
    }
    %eq3A_4 = arith.constant 0 : i32
    %eq3A_5 = arith.cmpi eq, %arg1, %eq3A_4 : i32
    %convert_element_type3A_6 = arith.extui %eq3A_5 : i1 to i32
    %cond3A_7 = arith.constant 0 : i32
    %cond3A_8 = arith.cmpi ne, %convert_element_type3A_6, %cond3A_7 : i32
    scf.if %cond3A_8 {
      %broadcast_in_dim3A_1230 = arith.constant 0xFF800000 : f32
      %broadcast_in_dim3A_1231 = vector.broadcast %broadcast_in_dim3A_1230 : f32 to vector<1024x1xf32>
      %swap3A_1232 = arith.constant 0 : index
      %swap3A_1233 = arith.constant 0 : index
      %swap3A_1234 = vector.load %arg7[%swap3A_1232, %swap3A_1233] : memref<1024x1xf32, #tpu.memory_space<vmem>>, vector<1024x1xf32>
      tpu.vector_store %arg7[%swap3A_1232, %swap3A_1233], %broadcast_in_dim3A_1231 {strides = array<i32>} : memref<1024x1xf32, #tpu.memory_space<vmem>>, vector<1024x1xf32>,
      %broadcast_in_dim3A_1235 = arith.constant 0.000000e+00 : f32
      %broadcast_in_dim3A_1236 = vector.broadcast %broadcast_in_dim3A_1235 : f32 to vector<1024x1xf32>
      %swap3A_1237 = arith.constant 0 : index
      %swap3A_1238 = arith.constant 0 : index
      %swap3A_1239 = vector.load %arg8[%swap3A_1237, %swap3A_1238] : memref<1024x1xf32, #tpu.memory_space<vmem>>, vector<1024x1xf32>
      tpu.vector_store %arg8[%swap3A_1237, %swap3A_1238], %broadcast_in_dim3A_1236 {strides = array<i32>} : memref<1024x1xf32, #tpu.memory_space<vmem>>, vector<1024x1xf32>,
      %get3A_1240 = arith.constant 0 : index
      %get3A_1241 = arith.constant 0 : index
      %get3A_1242 = vector.load %arg2[%get3A_1240, %get3A_1241] : memref<1024x16xf32, #tpu.memory_space<vmem>>, vector<1024x16xf32>
      %swap3A_1243 = arith.constant 0 : index
      %swap3A_1244 = arith.constant 0 : index
      %swap3A_1245 = vector.load %arg6[%swap3A_1243, %swap3A_1244] : memref<1024x128xf32, #tpu.memory_space<vmem>>, vector<1024x16xf32>
      tpu.vector_store %arg6[%swap3A_1243, %swap3A_1244], %get3A_1242 {strides = array<i32>} : memref<1024x128xf32, #tpu.memory_space<vmem>>, vector<1024x16xf32>,
    } else {
    }
    %get3A = arith.constant 0 : index
    %get3A_9 = arith.constant 0 : index
    %get3A_10 = vector.load %arg2[%get3A, %get3A_9] : memref<1024x16xf32, #tpu.memory_space<vmem>>, vector<1024x16xf32>
    %mul3A = arith.constant -2.000000e+00 : f32
    %mul3A_11 = vector.broadcast %mul3A : f32 to vector<1024x16xf32>
    %mul3A_12 = arith.mulf %mul3A_11, %get3A_10 : vector<1024x16xf32>
    %convert_element_type3A_13 = arith.truncf %mul3A_12 : vector<1024x16xf32> to vector<1024x16xbf16>
    %broadcast_in_dim3A = arith.constant 1.000000e+00 : bf16
    %broadcast_in_dim3A_14 = vector.broadcast %broadcast_in_dim3A : bf16 to vector<1024x1xbf16>
    %concatenate3A = tpu.concatenate %convert_element_type3A_13, %broadcast_in_dim3A_14 in 1 : vector<1024x16xbf16>, vector<1024x1xbf16> -> vector<1024x17xbf16>
    %get3A_15 = arith.constant 0 : index
    %get3A_16 = arith.constant 0 : index
    %get3A_17 = vector.load %arg9[%get3A_15, %get3A_16] : memref<24x16384xbf16, #tpu.memory_space<vmem>>, vector<17x16384xbf16>
    %dot_general3A = arith.constant dense<0.000000e+00> : vector<1024x16384xf32>
    %dot_general3A_18 = tpu.matmul %concatenate3A, %get3A_17, %dot_general3A {dimension_numbers = #tpu.dot_dimension_numbers<[1], [0], [0], [1], [0, 0, 1, 1], [], []>, transpose_lhs_hint = false} : vector<1024x17xbf16>, vector<17x16384xbf16>, vector<1024x16384xf32> -> vector<1024x16384xf32>
    %get3A_19 = arith.constant 0 : index
    %get3A_20 = arith.constant 0 : index
    %get3A_21 = vector.load %arg4[%get3A_19, %get3A_20] : memref<1x128xf32, #tpu.memory_space<vmem>>, vector<1x128xf32>
    %slice3A = vector.extract_strided_slice %dot_general3A_18 {offsets = [0, 0], sizes = [1024, 128], strides = [1, 1]} : vector<1024x16384xf32> to vector<1024x128xf32>
    %broadcast_in_dim3A_22 = vector.shape_cast %get3A_21 : vector<1x128xf32> to vector<1x128xf32>
    %broadcast_in_dim3A_23 = vector.broadcast %broadcast_in_dim3A_22 : vector<1x128xf32> to vector<1024x128xf32>
    %slice3A_24 = vector.extract_strided_slice %dot_general3A_18 {offsets = [0, 128], sizes = [1024, 128], strides = [1, 1]} : vector<1024x16384xf32> to vector<1024x128xf32>
    %gt3A = arith.cmpf ogt, %slice3A_24, %slice3A : vector<1024x128xf32>
    %max3A = arith.maximumf %slice3A_24, %slice3A : vector<1024x128xf32>
    %add3A = arith.constant 1.280000e+02 : f32
    %add3A_25 = vector.broadcast %add3A : f32 to vector<1x128xf32>
    %add3A_26 = arith.addf %get3A_21, %add3A_25 : vector<1x128xf32>
    %broadcast_in_dim3A_27 = vector.shape_cast %add3A_26 : vector<1x128xf32> to vector<1x128xf32>
    %broadcast_in_dim3A_28 = vector.broadcast %broadcast_in_dim3A_27 : vector<1x128xf32> to vector<1024x128xf32>
    %select_n3A = arith.select %gt3A, %broadcast_in_dim3A_28, %broadcast_in_dim3A_23 : vector<1024x128xi1>, vector<1024x128xf32>
    %slice3A_29 = vector.extract_strided_slice %dot_general3A_18 {offsets = [0, 256], sizes = [1024, 128], strides = [1, 1]} : vector<1024x16384xf32> to vector<1024x128xf32>
    %gt3A_30 = arith.cmpf ogt, %slice3A_29, %max3A : vector<1024x128xf32>
    %max3A_31 = arith.maximumf %slice3A_29, %max3A : vector<1024x128xf32>
    %add3A_32 = arith.constant 2.560000e+02 : f32
    %add3A_33 = vector.broadcast %add3A_32 : f32 to vector<1x128xf32>
    %add3A_34 = arith.addf %get3A_21, %add3A_33 : vector<1x128xf32>
    %broadcast_in_dim3A_35 = vector.shape_cast %add3A_34 : vector<1x128xf32> to vector<1x128xf32>
    %broadcast_in_dim3A_36 = vector.broadcast %broadcast_in_dim3A_35 : vector<1x128xf32> to vector<1024x128xf32>
    %select_n3A_37 = arith.select %gt3A_30, %broadcast_in_dim3A_36, %select_n3A : vector<1024x128xi1>, vector<1024x128xf32>
    %slice3A_38 = vector.extract_strided_slice %dot_general3A_18 {offsets = [0, 384], sizes = [1024, 128], strides = [1, 1]} : vector<1024x16384xf32> to vector<1024x128xf32>
    %gt3A_39 = arith.cmpf ogt, %slice3A_38, %max3A_31 : vector<1024x128xf32>
    %max3A_40 = arith.maximumf %slice3A_38, %max3A_31 : vector<1024x128xf32>
    %add3A_41 = arith.constant 3.840000e+02 : f32
    %add3A_42 = vector.broadcast %add3A_41 : f32 to vector<1x128xf32>
    %add3A_43 = arith.addf %get3A_21, %add3A_42 : vector<1x128xf32>
    %broadcast_in_dim3A_44 = vector.shape_cast %add3A_43 : vector<1x128xf32> to vector<1x128xf32>
    %broadcast_in_dim3A_45 = vector.broadcast %broadcast_in_dim3A_44 : vector<1x128xf32> to vector<1024x128xf32>
    %select_n3A_46 = arith.select %gt3A_39, %broadcast_in_dim3A_45, %select_n3A_37 : vector<1024x128xi1>, vector<1024x128xf32>
    %slice3A_47 = vector.extract_strided_slice %dot_general3A_18 {offsets = [0, 512], sizes = [1024, 128], strides = [1, 1]} : vector<1024x16384xf32> to vector<1024x128xf32>
    %gt3A_48 = arith.cmpf ogt, %slice3A_47, %max3A_40 : vector<1024x128xf32>
    %max3A_49 = arith.maximumf %slice3A_47, %max3A_40 : vector<1024x128xf32>
    %add3A_50 = arith.constant 5.120000e+02 : f32
    %add3A_51 = vector.broadcast %add3A_50 : f32 to vector<1x128xf32>
    %add3A_52 = arith.addf %get3A_21, %add3A_51 : vector<1x128xf32>
    %broadcast_in_dim3A_53 = vector.shape_cast %add3A_52 : vector<1x128xf32> to vector<1x128xf32>
    %broadcast_in_dim3A_54 = vector.broadcast %broadcast_in_dim3A_53 : vector<1x128xf32> to vector<1024x128xf32>
    %select_n3A_55 = arith.select %gt3A_48, %broadcast_in_dim3A_54, %select_n3A_46 : vector<1024x128xi1>, vector<1024x128xf32>
    %slice3A_56 = vector.extract_strided_slice %dot_general3A_18 {offsets = [0, 640], sizes = [1024, 128], strides = [1, 1]} : vector<1024x16384xf32> to vector<1024x128xf32>
    %gt3A_57 = arith.cmpf ogt, %slice3A_56, %max3A_49 : vector<1024x128xf32>
    %max3A_58 = arith.maximumf %slice3A_56, %max3A_49 : vector<1024x128xf32>
    %add3A_59 = arith.constant 6.400000e+02 : f32
    %add3A_60 = vector.broadcast %add3A_59 : f32 to vector<1x128xf32>
    %add3A_61 = arith.addf %get3A_21, %add3A_60 : vector<1x128xf32>
    %broadcast_in_dim3A_62 = vector.shape_cast %add3A_61 : vector<1x128xf32> to vector<1x128xf32>
    %broadcast_in_dim3A_63 = vector.broadcast %broadcast_in_dim3A_62 : vector<1x128xf32> to vector<1024x128xf32>
    %select_n3A_64 = arith.select %gt3A_57, %broadcast_in_dim3A_63, %select_n3A_55 : vector<1024x128xi1>, vector<1024x128xf32>
    %slice3A_65 = vector.extract_strided_slice %dot_general3A_18 {offsets = [0, 768], sizes = [1024, 128], strides = [1, 1]} : vector<1024x16384xf32> to vector<1024x128xf32>
    %gt3A_66 = arith.cmpf ogt, %slice3A_65, %max3A_58 : vector<1024x128xf32>
    %max3A_67 = arith.maximumf %slice3A_65, %max3A_58 : vector<1024x128xf32>
    %add3A_68 = arith.constant 7.680000e+02 : f32
    %add3A_69 = vector.broadcast %add3A_68 : f32 to vector<1x128xf32>
    %add3A_70 = arith.addf %get3A_21, %add3A_69 : vector<1x128xf32>
    %broadcast_in_dim3A_71 = vector.shape_cast %add3A_70 : vector<1x128xf32> to vector<1x128xf32>
    %broadcast_in_dim3A_72 = vector.broadcast %broadcast_in_dim3A_71 : vector<1x128xf32> to vector<1024x128xf32>
    %select_n3A_73 = arith.select %gt3A_66, %broadcast_in_dim3A_72, %select_n3A_64 : vector<1024x128xi1>, vector<1024x128xf32>
    %slice3A_74 = vector.extract_strided_slice %dot_general3A_18 {offsets = [0, 896], sizes = [1024, 128], strides = [1, 1]} : vector<1024x16384xf32> to vector<1024x128xf32>
    %gt3A_75 = arith.cmpf ogt, %slice3A_74, %max3A_67 : vector<1024x128xf32>
    %max3A_76 = arith.maximumf %slice3A_74, %max3A_67 : vector<1024x128xf32>
    %add3A_77 = arith.constant 8.960000e+02 : f32
    %add3A_78 = vector.broadcast %add3A_77 : f32 to vector<1x128xf32>
    %add3A_79 = arith.addf %get3A_21, %add3A_78 : vector<1x128xf32>
    %broadcast_in_dim3A_80 = vector.shape_cast %add3A_79 : vector<1x128xf32> to vector<1x128xf32>
    %broadcast_in_dim3A_81 = vector.broadcast %broadcast_in_dim3A_80 : vector<1x128xf32> to vector<1024x128xf32>
    %select_n3A_82 = arith.select %gt3A_75, %broadcast_in_dim3A_81, %select_n3A_73 : vector<1024x128xi1>, vector<1024x128xf32>
    %slice3A_83 = vector.extract_strided_slice %dot_general3A_18 {offsets = [0, 1024], sizes = [1024, 128], strides = [1, 1]} : vector<1024x16384xf32> to vector<1024x128xf32>
    %gt3A_84 = arith.cmpf ogt, %slice3A_83, %max3A_76 : vector<1024x128xf32>
    %max3A_85 = arith.maximumf %slice3A_83, %max3A_76 : vector<1024x128xf32>
    %add3A_86 = arith.constant 1.024000e+03 : f32
    %add3A_87 = vector.broadcast %add3A_86 : f32 to vector<1x128xf32>
    %add3A_88 = arith.addf %get3A_21, %add3A_87 : vector<1x128xf32>
    %broadcast_in_dim3A_89 = vector.shape_cast %add3A_88 : vector<1x128xf32> to vector<1x128xf32>
    %broadcast_in_dim3A_90 = vector.broadcast %broadcast_in_dim3A_89 : vector<1x128xf32> to vector<1024x128xf32>
    %select_n3A_91 = arith.select %gt3A_84, %broadcast_in_dim3A_90, %select_n3A_82 : vector<1024x128xi1>, vector<1024x128xf32>
    %slice3A_92 = vector.extract_strided_slice %dot_general3A_18 {offsets = [0, 1152], sizes = [1024, 128], strides = [1, 1]} : vector<1024x16384xf32> to vector<1024x128xf32>
    %gt3A_93 = arith.cmpf ogt, %slice3A_92, %max3A_85 : vector<1024x128xf32>
    %max3A_94 = arith.maximumf %slice3A_92, %max3A_85 : vector<1024x128xf32>
    %add3A_95 = arith.constant 1.152000e+03 : f32
    %add3A_96 = vector.broadcast %add3A_95 : f32 to vector<1x128xf32>
    %add3A_97 = arith.addf %get3A_21, %add3A_96 : vector<1x128xf32>
    %broadcast_in_dim3A_98 = vector.shape_cast %add3A_97 : vector<1x128xf32> to vector<1x128xf32>
    %broadcast_in_dim3A_99 = vector.broadcast %broadcast_in_dim3A_98 : vector<1x128xf32> to vector<1024x128xf32>
    %select_n3A_100 = arith.select %gt3A_93, %broadcast_in_dim3A_99, %select_n3A_91 : vector<1024x128xi1>, vector<1024x128xf32>
    %slice3A_101 = vector.extract_strided_slice %dot_general3A_18 {offsets = [0, 1280], sizes = [1024, 128], strides = [1, 1]} : vector<1024x16384xf32> to vector<1024x128xf32>
    %gt3A_102 = arith.cmpf ogt, %slice3A_101, %max3A_94 : vector<1024x128xf32>
    %max3A_103 = arith.maximumf %slice3A_101, %max3A_94 : vector<1024x128xf32>
    %add3A_104 = arith.constant 1.280000e+03 : f32
    %add3A_105 = vector.broadcast %add3A_104 : f32 to vector<1x128xf32>
    %add3A_106 = arith.addf %get3A_21, %add3A_105 : vector<1x128xf32>
    %broadcast_in_dim3A_107 = vector.shape_cast %add3A_106 : vector<1x128xf32> to vector<1x128xf32>
    %broadcast_in_dim3A_108 = vector.broadcast %broadcast_in_dim3A_107 : vector<1x128xf32> to vector<1024x128xf32>
    %select_n3A_109 = arith.select %gt3A_102, %broadcast_in_dim3A_108, %select_n3A_100 : vector<1024x128xi1>, vector<1024x128xf32>
    %slice3A_110 = vector.extract_strided_slice %dot_general3A_18 {offsets = [0, 1408], sizes = [1024, 128], strides = [1, 1]} : vector<1024x16384xf32> to vector<1024x128xf32>
    %gt3A_111 = arith.cmpf ogt, %slice3A_110, %max3A_103 : vector<1024x128xf32>
    %max3A_112 = arith.maximumf %slice3A_110, %max3A_103 : vector<1024x128xf32>
    %add3A_113 = arith.constant 1.408000e+03 : f32
    %add3A_114 = vector.broadcast %add3A_113 : f32 to vector<1x128xf32>
    %add3A_115 = arith.addf %get3A_21, %add3A_114 : vector<1x128xf32>
    %broadcast_in_dim3A_116 = vector.shape_cast %add3A_115 : vector<1x128xf32> to vector<1x128xf32>
    %broadcast_in_dim3A_117 = vector.broadcast %broadcast_in_dim3A_116 : vector<1x128xf32> to vector<1024x128xf32>
    %select_n3A_118 = arith.select %gt3A_111, %broadcast_in_dim3A_117, %select_n3A_109 : vector<1024x128xi1>, vector<1024x128xf32>
    %slice3A_119 = vector.extract_strided_slice %dot_general3A_18 {offsets = [0, 1536], sizes = [1024, 128], strides = [1, 1]} : vector<1024x16384xf32> to vector<1024x128xf32>
    %gt3A_120 = arith.cmpf ogt, %slice3A_119, %max3A_112 : vector<1024x128xf32>
    %max3A_121 = arith.maximumf %slice3A_119, %max3A_112 : vector<1024x128xf32>
    %add3A_122 = arith.constant 1.536000e+03 : f32
    %add3A_123 = vector.broadcast %add3A_122 : f32 to vector<1x128xf32>
    %add3A_124 = arith.addf %get3A_21, %add3A_123 : vector<1x128xf32>
    %broadcast_in_dim3A_125 = vector.shape_cast %add3A_124 : vector<1x128xf32> to vector<1x128xf32>
    %broadcast_in_dim3A_126 = vector.broadcast %broadcast_in_dim3A_125 : vector<1x128xf32> to vector<1024x128xf32>
    %select_n3A_127 = arith.select %gt3A_120, %broadcast_in_dim3A_126, %select_n3A_118 : vector<1024x128xi1>, vector<1024x128xf32>
    %slice3A_128 = vector.extract_strided_slice %dot_general3A_18 {offsets = [0, 1664], sizes = [1024, 128], strides = [1, 1]} : vector<1024x16384xf32> to vector<1024x128xf32>
    %gt3A_129 = arith.cmpf ogt, %slice3A_128, %max3A_121 : vector<1024x128xf32>
    %max3A_130 = arith.maximumf %slice3A_128, %max3A_121 : vector<1024x128xf32>
    %add3A_131 = arith.constant 1.664000e+03 : f32
    %add3A_132 = vector.broadcast %add3A_131 : f32 to vector<1x128xf32>
    %add3A_133 = arith.addf %get3A_21, %add3A_132 : vector<1x128xf32>
    %broadcast_in_dim3A_134 = vector.shape_cast %add3A_133 : vector<1x128xf32> to vector<1x128xf32>
    %broadcast_in_dim3A_135 = vector.broadcast %broadcast_in_dim3A_134 : vector<1x128xf32> to vector<1024x128xf32>
    %select_n3A_136 = arith.select %gt3A_129, %broadcast_in_dim3A_135, %select_n3A_127 : vector<1024x128xi1>, vector<1024x128xf32>
    %slice3A_137 = vector.extract_strided_slice %dot_general3A_18 {offsets = [0, 1792], sizes = [1024, 128], strides = [1, 1]} : vector<1024x16384xf32> to vector<1024x128xf32>
    %gt3A_138 = arith.cmpf ogt, %slice3A_137, %max3A_130 : vector<1024x128xf32>
    %max3A_139 = arith.maximumf %slice3A_137, %max3A_130 : vector<1024x128xf32>
    %add3A_140 = arith.constant 1.792000e+03 : f32
    %add3A_141 = vector.broadcast %add3A_140 : f32 to vector<1x128xf32>
    %add3A_142 = arith.addf %get3A_21, %add3A_141 : vector<1x128xf32>
    %broadcast_in_dim3A_143 = vector.shape_cast %add3A_142 : vector<1x128xf32> to vector<1x128xf32>
    %broadcast_in_dim3A_144 = vector.broadcast %broadcast_in_dim3A_143 : vector<1x128xf32> to vector<1024x128xf32>
    %select_n3A_145 = arith.select %gt3A_138, %broadcast_in_dim3A_144, %select_n3A_136 : vector<1024x128xi1>, vector<1024x128xf32>
    %slice3A_146 = vector.extract_strided_slice %dot_general3A_18 {offsets = [0, 1920], sizes = [1024, 128], strides = [1, 1]} : vector<1024x16384xf32> to vector<1024x128xf32>
    %gt3A_147 = arith.cmpf ogt, %slice3A_146, %max3A_139 : vector<1024x128xf32>
    %max3A_148 = arith.maximumf %slice3A_146, %max3A_139 : vector<1024x128xf32>
    %add3A_149 = arith.constant 1.920000e+03 : f32
    %add3A_150 = vector.broadcast %add3A_149 : f32 to vector<1x128xf32>
    %add3A_151 = arith.addf %get3A_21, %add3A_150 : vector<1x128xf32>
    %broadcast_in_dim3A_152 = vector.shape_cast %add3A_151 : vector<1x128xf32> to vector<1x128xf32>
    %broadcast_in_dim3A_153 = vector.broadcast %broadcast_in_dim3A_152 : vector<1x128xf32> to vector<1024x128xf32>
    %select_n3A_154 = arith.select %gt3A_147, %broadcast_in_dim3A_153, %select_n3A_145 : vector<1024x128xi1>, vector<1024x128xf32>
    %slice3A_155 = vector.extract_strided_slice %dot_general3A_18 {offsets = [0, 2048], sizes = [1024, 128], strides = [1, 1]} : vector<1024x16384xf32> to vector<1024x128xf32>
    %gt3A_156 = arith.cmpf ogt, %slice3A_155, %max3A_148 : vector<1024x128xf32>
    %max3A_157 = arith.maximumf %slice3A_155, %max3A_148 : vector<1024x128xf32>
    %add3A_158 = arith.constant 2.048000e+03 : f32
    %add3A_159 = vector.broadcast %add3A_158 : f32 to vector<1x128xf32>
    %add3A_160 = arith.addf %get3A_21, %add3A_159 : vector<1x128xf32>
    %broadcast_in_dim3A_161 = vector.shape_cast %add3A_160 : vector<1x128xf32> to vector<1x128xf32>
    %broadcast_in_dim3A_162 = vector.broadcast %broadcast_in_dim3A_161 : vector<1x128xf32> to vector<1024x128xf32>
    %select_n3A_163 = arith.select %gt3A_156, %broadcast_in_dim3A_162, %select_n3A_154 : vector<1024x128xi1>, vector<1024x128xf32>
    %slice3A_164 = vector.extract_strided_slice %dot_general3A_18 {offsets = [0, 2176], sizes = [1024, 128], strides = [1, 1]} : vector<1024x16384xf32> to vector<1024x128xf32>
    %gt3A_165 = arith.cmpf ogt, %slice3A_164, %max3A_157 : vector<1024x128xf32>
    %max3A_166 = arith.maximumf %slice3A_164, %max3A_157 : vector<1024x128xf32>
    %add3A_167 = arith.constant 2.176000e+03 : f32
    %add3A_168 = vector.broadcast %add3A_167 : f32 to vector<1x128xf32>
    %add3A_169 = arith.addf %get3A_21, %add3A_168 : vector<1x128xf32>
    %broadcast_in_dim3A_170 = vector.shape_cast %add3A_169 : vector<1x128xf32> to vector<1x128xf32>
    %broadcast_in_dim3A_171 = vector.broadcast %broadcast_in_dim3A_170 : vector<1x128xf32> to vector<1024x128xf32>
    %select_n3A_172 = arith.select %gt3A_165, %broadcast_in_dim3A_171, %select_n3A_163 : vector<1024x128xi1>, vector<1024x128xf32>
    %slice3A_173 = vector.extract_strided_slice %dot_general3A_18 {offsets = [0, 2304], sizes = [1024, 128], strides = [1, 1]} : vector<1024x16384xf32> to vector<1024x128xf32>
    %gt3A_174 = arith.cmpf ogt, %slice3A_173, %max3A_166 : vector<1024x128xf32>
    %max3A_175 = arith.maximumf %slice3A_173, %max3A_166 : vector<1024x128xf32>
    %add3A_176 = arith.constant 2.304000e+03 : f32
    %add3A_177 = vector.broadcast %add3A_176 : f32 to vector<1x128xf32>
    %add3A_178 = arith.addf %get3A_21, %add3A_177 : vector<1x128xf32>
    %broadcast_in_dim3A_179 = vector.shape_cast %add3A_178 : vector<1x128xf32> to vector<1x128xf32>
    %broadcast_in_dim3A_180 = vector.broadcast %broadcast_in_dim3A_179 : vector<1x128xf32> to vector<1024x128xf32>
    %select_n3A_181 = arith.select %gt3A_174, %broadcast_in_dim3A_180, %select_n3A_172 : vector<1024x128xi1>, vector<1024x128xf32>
    %slice3A_182 = vector.extract_strided_slice %dot_general3A_18 {offsets = [0, 2432], sizes = [1024, 128], strides = [1, 1]} : vector<1024x16384xf32> to vector<1024x128xf32>
    %gt3A_183 = arith.cmpf ogt, %slice3A_182, %max3A_175 : vector<1024x128xf32>
    %max3A_184 = arith.maximumf %slice3A_182, %max3A_175 : vector<1024x128xf32>
    %add3A_185 = arith.constant 2.432000e+03 : f32
    %add3A_186 = vector.broadcast %add3A_185 : f32 to vector<1x128xf32>
    %add3A_187 = arith.addf %get3A_21, %add3A_186 : vector<1x128xf32>
    %broadcast_in_dim3A_188 = vector.shape_cast %add3A_187 : vector<1x128xf32> to vector<1x128xf32>
    %broadcast_in_dim3A_189 = vector.broadcast %broadcast_in_dim3A_188 : vector<1x128xf32> to vector<1024x128xf32>
    %select_n3A_190 = arith.select %gt3A_183, %broadcast_in_dim3A_189, %select_n3A_181 : vector<1024x128xi1>, vector<1024x128xf32>
    %slice3A_191 = vector.extract_strided_slice %dot_general3A_18 {offsets = [0, 2560], sizes = [1024, 128], strides = [1, 1]} : vector<1024x16384xf32> to vector<1024x128xf32>
    %gt3A_192 = arith.cmpf ogt, %slice3A_191, %max3A_184 : vector<1024x128xf32>
    %max3A_193 = arith.maximumf %slice3A_191, %max3A_184 : vector<1024x128xf32>
    %add3A_194 = arith.constant 2.560000e+03 : f32
    %add3A_195 = vector.broadcast %add3A_194 : f32 to vector<1x128xf32>
    %add3A_196 = arith.addf %get3A_21, %add3A_195 : vector<1x128xf32>
    %broadcast_in_dim3A_197 = vector.shape_cast %add3A_196 : vector<1x128xf32> to vector<1x128xf32>
    %broadcast_in_dim3A_198 = vector.broadcast %broadcast_in_dim3A_197 : vector<1x128xf32> to vector<1024x128xf32>
    %select_n3A_199 = arith.select %gt3A_192, %broadcast_in_dim3A_198, %select_n3A_190 : vector<1024x128xi1>, vector<1024x128xf32>
    %slice3A_200 = vector.extract_strided_slice %dot_general3A_18 {offsets = [0, 2688], sizes = [1024, 128], strides = [1, 1]} : vector<1024x16384xf32> to vector<1024x128xf32>
    %gt3A_201 = arith.cmpf ogt, %slice3A_200, %max3A_193 : vector<1024x128xf32>
    %max3A_202 = arith.maximumf %slice3A_200, %max3A_193 : vector<1024x128xf32>
    %add3A_203 = arith.constant 2.688000e+03 : f32
    %add3A_204 = vector.broadcast %add3A_203 : f32 to vector<1x128xf32>
    %add3A_205 = arith.addf %get3A_21, %add3A_204 : vector<1x128xf32>
    %broadcast_in_dim3A_206 = vector.shape_cast %add3A_205 : vector<1x128xf32> to vector<1x128xf32>
    %broadcast_in_dim3A_207 = vector.broadcast %broadcast_in_dim3A_206 : vector<1x128xf32> to vector<1024x128xf32>
    %select_n3A_208 = arith.select %gt3A_201, %broadcast_in_dim3A_207, %select_n3A_199 : vector<1024x128xi1>, vector<1024x128xf32>
    %slice3A_209 = vector.extract_strided_slice %dot_general3A_18 {offsets = [0, 2816], sizes = [1024, 128], strides = [1, 1]} : vector<1024x16384xf32> to vector<1024x128xf32>
    %gt3A_210 = arith.cmpf ogt, %slice3A_209, %max3A_202 : vector<1024x128xf32>
    %max3A_211 = arith.maximumf %slice3A_209, %max3A_202 : vector<1024x128xf32>
    %add3A_212 = arith.constant 2.816000e+03 : f32
    %add3A_213 = vector.broadcast %add3A_212 : f32 to vector<1x128xf32>
    %add3A_214 = arith.addf %get3A_21, %add3A_213 : vector<1x128xf32>
    %broadcast_in_dim3A_215 = vector.shape_cast %add3A_214 : vector<1x128xf32> to vector<1x128xf32>
    %broadcast_in_dim3A_216 = vector.broadcast %broadcast_in_dim3A_215 : vector<1x128xf32> to vector<1024x128xf32>
    %select_n3A_217 = arith.select %gt3A_210, %broadcast_in_dim3A_216, %select_n3A_208 : vector<1024x128xi1>, vector<1024x128xf32>
    %slice3A_218 = vector.extract_strided_slice %dot_general3A_18 {offsets = [0, 2944], sizes = [1024, 128], strides = [1, 1]} : vector<1024x16384xf32> to vector<1024x128xf32>
    %gt3A_219 = arith.cmpf ogt, %slice3A_218, %max3A_211 : vector<1024x128xf32>
    %max3A_220 = arith.maximumf %slice3A_218, %max3A_211 : vector<1024x128xf32>
    %add3A_221 = arith.constant 2.944000e+03 : f32
    %add3A_222 = vector.broadcast %add3A_221 : f32 to vector<1x128xf32>
    %add3A_223 = arith.addf %get3A_21, %add3A_222 : vector<1x128xf32>
    %broadcast_in_dim3A_224 = vector.shape_cast %add3A_223 : vector<1x128xf32> to vector<1x128xf32>
    %broadcast_in_dim3A_225 = vector.broadcast %broadcast_in_dim3A_224 : vector<1x128xf32> to vector<1024x128xf32>
    %select_n3A_226 = arith.select %gt3A_219, %broadcast_in_dim3A_225, %select_n3A_217 : vector<1024x128xi1>, vector<1024x128xf32>
    %slice3A_227 = vector.extract_strided_slice %dot_general3A_18 {offsets = [0, 3072], sizes = [1024, 128], strides = [1, 1]} : vector<1024x16384xf32> to vector<1024x128xf32>
    %gt3A_228 = arith.cmpf ogt, %slice3A_227, %max3A_220 : vector<1024x128xf32>
    %max3A_229 = arith.maximumf %slice3A_227, %max3A_220 : vector<1024x128xf32>
    %add3A_230 = arith.constant 3.072000e+03 : f32
    %add3A_231 = vector.broadcast %add3A_230 : f32 to vector<1x128xf32>
    %add3A_232 = arith.addf %get3A_21, %add3A_231 : vector<1x128xf32>
    %broadcast_in_dim3A_233 = vector.shape_cast %add3A_232 : vector<1x128xf32> to vector<1x128xf32>
    %broadcast_in_dim3A_234 = vector.broadcast %broadcast_in_dim3A_233 : vector<1x128xf32> to vector<1024x128xf32>
    %select_n3A_235 = arith.select %gt3A_228, %broadcast_in_dim3A_234, %select_n3A_226 : vector<1024x128xi1>, vector<1024x128xf32>
    %slice3A_236 = vector.extract_strided_slice %dot_general3A_18 {offsets = [0, 3200], sizes = [1024, 128], strides = [1, 1]} : vector<1024x16384xf32> to vector<1024x128xf32>
    %gt3A_237 = arith.cmpf ogt, %slice3A_236, %max3A_229 : vector<1024x128xf32>
    %max3A_238 = arith.maximumf %slice3A_236, %max3A_229 : vector<1024x128xf32>
    %add3A_239 = arith.constant 3.200000e+03 : f32
    %add3A_240 = vector.broadcast %add3A_239 : f32 to vector<1x128xf32>
    %add3A_241 = arith.addf %get3A_21, %add3A_240 : vector<1x128xf32>
    %broadcast_in_dim3A_242 = vector.shape_cast %add3A_241 : vector<1x128xf32> to vector<1x128xf32>
    %broadcast_in_dim3A_243 = vector.broadcast %broadcast_in_dim3A_242 : vector<1x128xf32> to vector<1024x128xf32>
    %select_n3A_244 = arith.select %gt3A_237, %broadcast_in_dim3A_243, %select_n3A_235 : vector<1024x128xi1>, vector<1024x128xf32>
    %slice3A_245 = vector.extract_strided_slice %dot_general3A_18 {offsets = [0, 3328], sizes = [1024, 128], strides = [1, 1]} : vector<1024x16384xf32> to vector<1024x128xf32>
    %gt3A_246 = arith.cmpf ogt, %slice3A_245, %max3A_238 : vector<1024x128xf32>
    %max3A_247 = arith.maximumf %slice3A_245, %max3A_238 : vector<1024x128xf32>
    %add3A_248 = arith.constant 3.328000e+03 : f32
    %add3A_249 = vector.broadcast %add3A_248 : f32 to vector<1x128xf32>
    %add3A_250 = arith.addf %get3A_21, %add3A_249 : vector<1x128xf32>
    %broadcast_in_dim3A_251 = vector.shape_cast %add3A_250 : vector<1x128xf32> to vector<1x128xf32>
    %broadcast_in_dim3A_252 = vector.broadcast %broadcast_in_dim3A_251 : vector<1x128xf32> to vector<1024x128xf32>
    %select_n3A_253 = arith.select %gt3A_246, %broadcast_in_dim3A_252, %select_n3A_244 : vector<1024x128xi1>, vector<1024x128xf32>
    %slice3A_254 = vector.extract_strided_slice %dot_general3A_18 {offsets = [0, 3456], sizes = [1024, 128], strides = [1, 1]} : vector<1024x16384xf32> to vector<1024x128xf32>
    %gt3A_255 = arith.cmpf ogt, %slice3A_254, %max3A_247 : vector<1024x128xf32>
    %max3A_256 = arith.maximumf %slice3A_254, %max3A_247 : vector<1024x128xf32>
    %add3A_257 = arith.constant 3.456000e+03 : f32
    %add3A_258 = vector.broadcast %add3A_257 : f32 to vector<1x128xf32>
    %add3A_259 = arith.addf %get3A_21, %add3A_258 : vector<1x128xf32>
    %broadcast_in_dim3A_260 = vector.shape_cast %add3A_259 : vector<1x128xf32> to vector<1x128xf32>
    %broadcast_in_dim3A_261 = vector.broadcast %broadcast_in_dim3A_260 : vector<1x128xf32> to vector<1024x128xf32>
    %select_n3A_262 = arith.select %gt3A_255, %broadcast_in_dim3A_261, %select_n3A_253 : vector<1024x128xi1>, vector<1024x128xf32>
    %slice3A_263 = vector.extract_strided_slice %dot_general3A_18 {offsets = [0, 3584], sizes = [1024, 128], strides = [1, 1]} : vector<1024x16384xf32> to vector<1024x128xf32>
    %gt3A_264 = arith.cmpf ogt, %slice3A_263, %max3A_256 : vector<1024x128xf32>
    %max3A_265 = arith.maximumf %slice3A_263, %max3A_256 : vector<1024x128xf32>
    %add3A_266 = arith.constant 3.584000e+03 : f32
    %add3A_267 = vector.broadcast %add3A_266 : f32 to vector<1x128xf32>
    %add3A_268 = arith.addf %get3A_21, %add3A_267 : vector<1x128xf32>
    %broadcast_in_dim3A_269 = vector.shape_cast %add3A_268 : vector<1x128xf32> to vector<1x128xf32>
    %broadcast_in_dim3A_270 = vector.broadcast %broadcast_in_dim3A_269 : vector<1x128xf32> to vector<1024x128xf32>
    %select_n3A_271 = arith.select %gt3A_264, %broadcast_in_dim3A_270, %select_n3A_262 : vector<1024x128xi1>, vector<1024x128xf32>
    %slice3A_272 = vector.extract_strided_slice %dot_general3A_18 {offsets = [0, 3712], sizes = [1024, 128], strides = [1, 1]} : vector<1024x16384xf32> to vector<1024x128xf32>
    %gt3A_273 = arith.cmpf ogt, %slice3A_272, %max3A_265 : vector<1024x128xf32>
    %max3A_274 = arith.maximumf %slice3A_272, %max3A_265 : vector<1024x128xf32>
    %add3A_275 = arith.constant 3.712000e+03 : f32
    %add3A_276 = vector.broadcast %add3A_275 : f32 to vector<1x128xf32>
    %add3A_277 = arith.addf %get3A_21, %add3A_276 : vector<1x128xf32>
    %broadcast_in_dim3A_278 = vector.shape_cast %add3A_277 : vector<1x128xf32> to vector<1x128xf32>
    %broadcast_in_dim3A_279 = vector.broadcast %broadcast_in_dim3A_278 : vector<1x128xf32> to vector<1024x128xf32>
    %select_n3A_280 = arith.select %gt3A_273, %broadcast_in_dim3A_279, %select_n3A_271 : vector<1024x128xi1>, vector<1024x128xf32>
    %slice3A_281 = vector.extract_strided_slice %dot_general3A_18 {offsets = [0, 3840], sizes = [1024, 128], strides = [1, 1]} : vector<1024x16384xf32> to vector<1024x128xf32>
    %gt3A_282 = arith.cmpf ogt, %slice3A_281, %max3A_274 : vector<1024x128xf32>
    %max3A_283 = arith.maximumf %slice3A_281, %max3A_274 : vector<1024x128xf32>
    %add3A_284 = arith.constant 3.840000e+03 : f32
    %add3A_285 = vector.broadcast %add3A_284 : f32 to vector<1x128xf32>
    %add3A_286 = arith.addf %get3A_21, %add3A_285 : vector<1x128xf32>
    %broadcast_in_dim3A_287 = vector.shape_cast %add3A_286 : vector<1x128xf32> to vector<1x128xf32>
    %broadcast_in_dim3A_288 = vector.broadcast %broadcast_in_dim3A_287 : vector<1x128xf32> to vector<1024x128xf32>
    %select_n3A_289 = arith.select %gt3A_282, %broadcast_in_dim3A_288, %select_n3A_280 : vector<1024x128xi1>, vector<1024x128xf32>
    %slice3A_290 = vector.extract_strided_slice %dot_general3A_18 {offsets = [0, 3968], sizes = [1024, 128], strides = [1, 1]} : vector<1024x16384xf32> to vector<1024x128xf32>
    %gt3A_291 = arith.cmpf ogt, %slice3A_290, %max3A_283 : vector<1024x128xf32>
    %max3A_292 = arith.maximumf %slice3A_290, %max3A_283 : vector<1024x128xf32>
    %add3A_293 = arith.constant 3.968000e+03 : f32
    %add3A_294 = vector.broadcast %add3A_293 : f32 to vector<1x128xf32>
    %add3A_295 = arith.addf %get3A_21, %add3A_294 : vector<1x128xf32>
    %broadcast_in_dim3A_296 = vector.shape_cast %add3A_295 : vector<1x128xf32> to vector<1x128xf32>
    %broadcast_in_dim3A_297 = vector.broadcast %broadcast_in_dim3A_296 : vector<1x128xf32> to vector<1024x128xf32>
    %select_n3A_298 = arith.select %gt3A_291, %broadcast_in_dim3A_297, %select_n3A_289 : vector<1024x128xi1>, vector<1024x128xf32>
    %slice3A_299 = vector.extract_strided_slice %dot_general3A_18 {offsets = [0, 4096], sizes = [1024, 128], strides = [1, 1]} : vector<1024x16384xf32> to vector<1024x128xf32>
    %gt3A_300 = arith.cmpf ogt, %slice3A_299, %max3A_292 : vector<1024x128xf32>
    %max3A_301 = arith.maximumf %slice3A_299, %max3A_292 : vector<1024x128xf32>
    %add3A_302 = arith.constant 4.096000e+03 : f32
    %add3A_303 = vector.broadcast %add3A_302 : f32 to vector<1x128xf32>
    %add3A_304 = arith.addf %get3A_21, %add3A_303 : vector<1x128xf32>
    %broadcast_in_dim3A_305 = vector.shape_cast %add3A_304 : vector<1x128xf32> to vector<1x128xf32>
    %broadcast_in_dim3A_306 = vector.broadcast %broadcast_in_dim3A_305 : vector<1x128xf32> to vector<1024x128xf32>
    %select_n3A_307 = arith.select %gt3A_300, %broadcast_in_dim3A_306, %select_n3A_298 : vector<1024x128xi1>, vector<1024x128xf32>
    %slice3A_308 = vector.extract_strided_slice %dot_general3A_18 {offsets = [0, 4224], sizes = [1024, 128], strides = [1, 1]} : vector<1024x16384xf32> to vector<1024x128xf32>
    %gt3A_309 = arith.cmpf ogt, %slice3A_308, %max3A_301 : vector<1024x128xf32>
    %max3A_310 = arith.maximumf %slice3A_308, %max3A_301 : vector<1024x128xf32>
    %add3A_311 = arith.constant 4.224000e+03 : f32
    %add3A_312 = vector.broadcast %add3A_311 : f32 to vector<1x128xf32>
    %add3A_313 = arith.addf %get3A_21, %add3A_312 : vector<1x128xf32>
    %broadcast_in_dim3A_314 = vector.shape_cast %add3A_313 : vector<1x128xf32> to vector<1x128xf32>
    %broadcast_in_dim3A_315 = vector.broadcast %broadcast_in_dim3A_314 : vector<1x128xf32> to vector<1024x128xf32>
    %select_n3A_316 = arith.select %gt3A_309, %broadcast_in_dim3A_315, %select_n3A_307 : vector<1024x128xi1>, vector<1024x128xf32>
    %slice3A_317 = vector.extract_strided_slice %dot_general3A_18 {offsets = [0, 4352], sizes = [1024, 128], strides = [1, 1]} : vector<1024x16384xf32> to vector<1024x128xf32>
    %gt3A_318 = arith.cmpf ogt, %slice3A_317, %max3A_310 : vector<1024x128xf32>
    %max3A_319 = arith.maximumf %slice3A_317, %max3A_310 : vector<1024x128xf32>
    %add3A_320 = arith.constant 4.352000e+03 : f32
    %add3A_321 = vector.broadcast %add3A_320 : f32 to vector<1x128xf32>
    %add3A_322 = arith.addf %get3A_21, %add3A_321 : vector<1x128xf32>
    %broadcast_in_dim3A_323 = vector.shape_cast %add3A_322 : vector<1x128xf32> to vector<1x128xf32>
    %broadcast_in_dim3A_324 = vector.broadcast %broadcast_in_dim3A_323 : vector<1x128xf32> to vector<1024x128xf32>
    %select_n3A_325 = arith.select %gt3A_318, %broadcast_in_dim3A_324, %select_n3A_316 : vector<1024x128xi1>, vector<1024x128xf32>
    %slice3A_326 = vector.extract_strided_slice %dot_general3A_18 {offsets = [0, 4480], sizes = [1024, 128], strides = [1, 1]} : vector<1024x16384xf32> to vector<1024x128xf32>
    %gt3A_327 = arith.cmpf ogt, %slice3A_326, %max3A_319 : vector<1024x128xf32>
    %max3A_328 = arith.maximumf %slice3A_326, %max3A_319 : vector<1024x128xf32>
    %add3A_329 = arith.constant 4.480000e+03 : f32
    %add3A_330 = vector.broadcast %add3A_329 : f32 to vector<1x128xf32>
    %add3A_331 = arith.addf %get3A_21, %add3A_330 : vector<1x128xf32>
    %broadcast_in_dim3A_332 = vector.shape_cast %add3A_331 : vector<1x128xf32> to vector<1x128xf32>
    %broadcast_in_dim3A_333 = vector.broadcast %broadcast_in_dim3A_332 : vector<1x128xf32> to vector<1024x128xf32>
    %select_n3A_334 = arith.select %gt3A_327, %broadcast_in_dim3A_333, %select_n3A_325 : vector<1024x128xi1>, vector<1024x128xf32>
    %slice3A_335 = vector.extract_strided_slice %dot_general3A_18 {offsets = [0, 4608], sizes = [1024, 128], strides = [1, 1]} : vector<1024x16384xf32> to vector<1024x128xf32>
    %gt3A_336 = arith.cmpf ogt, %slice3A_335, %max3A_328 : vector<1024x128xf32>
    %max3A_337 = arith.maximumf %slice3A_335, %max3A_328 : vector<1024x128xf32>
    %add3A_338 = arith.constant 4.608000e+03 : f32
    %add3A_339 = vector.broadcast %add3A_338 : f32 to vector<1x128xf32>
    %add3A_340 = arith.addf %get3A_21, %add3A_339 : vector<1x128xf32>
    %broadcast_in_dim3A_341 = vector.shape_cast %add3A_340 : vector<1x128xf32> to vector<1x128xf32>
    %broadcast_in_dim3A_342 = vector.broadcast %broadcast_in_dim3A_341 : vector<1x128xf32> to vector<1024x128xf32>
    %select_n3A_343 = arith.select %gt3A_336, %broadcast_in_dim3A_342, %select_n3A_334 : vector<1024x128xi1>, vector<1024x128xf32>
    %slice3A_344 = vector.extract_strided_slice %dot_general3A_18 {offsets = [0, 4736], sizes = [1024, 128], strides = [1, 1]} : vector<1024x16384xf32> to vector<1024x128xf32>
    %gt3A_345 = arith.cmpf ogt, %slice3A_344, %max3A_337 : vector<1024x128xf32>
    %max3A_346 = arith.maximumf %slice3A_344, %max3A_337 : vector<1024x128xf32>
    %add3A_347 = arith.constant 4.736000e+03 : f32
    %add3A_348 = vector.broadcast %add3A_347 : f32 to vector<1x128xf32>
    %add3A_349 = arith.addf %get3A_21, %add3A_348 : vector<1x128xf32>
    %broadcast_in_dim3A_350 = vector.shape_cast %add3A_349 : vector<1x128xf32> to vector<1x128xf32>
    %broadcast_in_dim3A_351 = vector.broadcast %broadcast_in_dim3A_350 : vector<1x128xf32> to vector<1024x128xf32>
    %select_n3A_352 = arith.select %gt3A_345, %broadcast_in_dim3A_351, %select_n3A_343 : vector<1024x128xi1>, vector<1024x128xf32>
    %slice3A_353 = vector.extract_strided_slice %dot_general3A_18 {offsets = [0, 4864], sizes = [1024, 128], strides = [1, 1]} : vector<1024x16384xf32> to vector<1024x128xf32>
    %gt3A_354 = arith.cmpf ogt, %slice3A_353, %max3A_346 : vector<1024x128xf32>
    %max3A_355 = arith.maximumf %slice3A_353, %max3A_346 : vector<1024x128xf32>
    %add3A_356 = arith.constant 4.864000e+03 : f32
    %add3A_357 = vector.broadcast %add3A_356 : f32 to vector<1x128xf32>
    %add3A_358 = arith.addf %get3A_21, %add3A_357 : vector<1x128xf32>
    %broadcast_in_dim3A_359 = vector.shape_cast %add3A_358 : vector<1x128xf32> to vector<1x128xf32>
    %broadcast_in_dim3A_360 = vector.broadcast %broadcast_in_dim3A_359 : vector<1x128xf32> to vector<1024x128xf32>
    %select_n3A_361 = arith.select %gt3A_354, %broadcast_in_dim3A_360, %select_n3A_352 : vector<1024x128xi1>, vector<1024x128xf32>
    %slice3A_362 = vector.extract_strided_slice %dot_general3A_18 {offsets = [0, 4992], sizes = [1024, 128], strides = [1, 1]} : vector<1024x16384xf32> to vector<1024x128xf32>
    %gt3A_363 = arith.cmpf ogt, %slice3A_362, %max3A_355 : vector<1024x128xf32>
    %max3A_364 = arith.maximumf %slice3A_362, %max3A_355 : vector<1024x128xf32>
    %add3A_365 = arith.constant 4.992000e+03 : f32
    %add3A_366 = vector.broadcast %add3A_365 : f32 to vector<1x128xf32>
    %add3A_367 = arith.addf %get3A_21, %add3A_366 : vector<1x128xf32>
    %broadcast_in_dim3A_368 = vector.shape_cast %add3A_367 : vector<1x128xf32> to vector<1x128xf32>
    %broadcast_in_dim3A_369 = vector.broadcast %broadcast_in_dim3A_368 : vector<1x128xf32> to vector<1024x128xf32>
    %select_n3A_370 = arith.select %gt3A_363, %broadcast_in_dim3A_369, %select_n3A_361 : vector<1024x128xi1>, vector<1024x128xf32>
    %slice3A_371 = vector.extract_strided_slice %dot_general3A_18 {offsets = [0, 5120], sizes = [1024, 128], strides = [1, 1]} : vector<1024x16384xf32> to vector<1024x128xf32>
    %gt3A_372 = arith.cmpf ogt, %slice3A_371, %max3A_364 : vector<1024x128xf32>
    %max3A_373 = arith.maximumf %slice3A_371, %max3A_364 : vector<1024x128xf32>
    %add3A_374 = arith.constant 5.120000e+03 : f32
    %add3A_375 = vector.broadcast %add3A_374 : f32 to vector<1x128xf32>
    %add3A_376 = arith.addf %get3A_21, %add3A_375 : vector<1x128xf32>
    %broadcast_in_dim3A_377 = vector.shape_cast %add3A_376 : vector<1x128xf32> to vector<1x128xf32>
    %broadcast_in_dim3A_378 = vector.broadcast %broadcast_in_dim3A_377 : vector<1x128xf32> to vector<1024x128xf32>
    %select_n3A_379 = arith.select %gt3A_372, %broadcast_in_dim3A_378, %select_n3A_370 : vector<1024x128xi1>, vector<1024x128xf32>
    %slice3A_380 = vector.extract_strided_slice %dot_general3A_18 {offsets = [0, 5248], sizes = [1024, 128], strides = [1, 1]} : vector<1024x16384xf32> to vector<1024x128xf32>
    %gt3A_381 = arith.cmpf ogt, %slice3A_380, %max3A_373 : vector<1024x128xf32>
    %max3A_382 = arith.maximumf %slice3A_380, %max3A_373 : vector<1024x128xf32>
    %add3A_383 = arith.constant 5.248000e+03 : f32
    %add3A_384 = vector.broadcast %add3A_383 : f32 to vector<1x128xf32>
    %add3A_385 = arith.addf %get3A_21, %add3A_384 : vector<1x128xf32>
    %broadcast_in_dim3A_386 = vector.shape_cast %add3A_385 : vector<1x128xf32> to vector<1x128xf32>
    %broadcast_in_dim3A_387 = vector.broadcast %broadcast_in_dim3A_386 : vector<1x128xf32> to vector<1024x128xf32>
    %select_n3A_388 = arith.select %gt3A_381, %broadcast_in_dim3A_387, %select_n3A_379 : vector<1024x128xi1>, vector<1024x128xf32>
    %slice3A_389 = vector.extract_strided_slice %dot_general3A_18 {offsets = [0, 5376], sizes = [1024, 128], strides = [1, 1]} : vector<1024x16384xf32> to vector<1024x128xf32>
    %gt3A_390 = arith.cmpf ogt, %slice3A_389, %max3A_382 : vector<1024x128xf32>
    %max3A_391 = arith.maximumf %slice3A_389, %max3A_382 : vector<1024x128xf32>
    %add3A_392 = arith.constant 5.376000e+03 : f32
    %add3A_393 = vector.broadcast %add3A_392 : f32 to vector<1x128xf32>
    %add3A_394 = arith.addf %get3A_21, %add3A_393 : vector<1x128xf32>
    %broadcast_in_dim3A_395 = vector.shape_cast %add3A_394 : vector<1x128xf32> to vector<1x128xf32>
    %broadcast_in_dim3A_396 = vector.broadcast %broadcast_in_dim3A_395 : vector<1x128xf32> to vector<1024x128xf32>
    %select_n3A_397 = arith.select %gt3A_390, %broadcast_in_dim3A_396, %select_n3A_388 : vector<1024x128xi1>, vector<1024x128xf32>
    %slice3A_398 = vector.extract_strided_slice %dot_general3A_18 {offsets = [0, 5504], sizes = [1024, 128], strides = [1, 1]} : vector<1024x16384xf32> to vector<1024x128xf32>
    %gt3A_399 = arith.cmpf ogt, %slice3A_398, %max3A_391 : vector<1024x128xf32>
    %max3A_400 = arith.maximumf %slice3A_398, %max3A_391 : vector<1024x128xf32>
    %add3A_401 = arith.constant 5.504000e+03 : f32
    %add3A_402 = vector.broadcast %add3A_401 : f32 to vector<1x128xf32>
    %add3A_403 = arith.addf %get3A_21, %add3A_402 : vector<1x128xf32>
    %broadcast_in_dim3A_404 = vector.shape_cast %add3A_403 : vector<1x128xf32> to vector<1x128xf32>
    %broadcast_in_dim3A_405 = vector.broadcast %broadcast_in_dim3A_404 : vector<1x128xf32> to vector<1024x128xf32>
    %select_n3A_406 = arith.select %gt3A_399, %broadcast_in_dim3A_405, %select_n3A_397 : vector<1024x128xi1>, vector<1024x128xf32>
    %slice3A_407 = vector.extract_strided_slice %dot_general3A_18 {offsets = [0, 5632], sizes = [1024, 128], strides = [1, 1]} : vector<1024x16384xf32> to vector<1024x128xf32>
    %gt3A_408 = arith.cmpf ogt, %slice3A_407, %max3A_400 : vector<1024x128xf32>
    %max3A_409 = arith.maximumf %slice3A_407, %max3A_400 : vector<1024x128xf32>
    %add3A_410 = arith.constant 5.632000e+03 : f32
    %add3A_411 = vector.broadcast %add3A_410 : f32 to vector<1x128xf32>
    %add3A_412 = arith.addf %get3A_21, %add3A_411 : vector<1x128xf32>
    %broadcast_in_dim3A_413 = vector.shape_cast %add3A_412 : vector<1x128xf32> to vector<1x128xf32>
    %broadcast_in_dim3A_414 = vector.broadcast %broadcast_in_dim3A_413 : vector<1x128xf32> to vector<1024x128xf32>
    %select_n3A_415 = arith.select %gt3A_408, %broadcast_in_dim3A_414, %select_n3A_406 : vector<1024x128xi1>, vector<1024x128xf32>
    %slice3A_416 = vector.extract_strided_slice %dot_general3A_18 {offsets = [0, 5760], sizes = [1024, 128], strides = [1, 1]} : vector<1024x16384xf32> to vector<1024x128xf32>
    %gt3A_417 = arith.cmpf ogt, %slice3A_416, %max3A_409 : vector<1024x128xf32>
    %max3A_418 = arith.maximumf %slice3A_416, %max3A_409 : vector<1024x128xf32>
    %add3A_419 = arith.constant 5.760000e+03 : f32
    %add3A_420 = vector.broadcast %add3A_419 : f32 to vector<1x128xf32>
    %add3A_421 = arith.addf %get3A_21, %add3A_420 : vector<1x128xf32>
    %broadcast_in_dim3A_422 = vector.shape_cast %add3A_421 : vector<1x128xf32> to vector<1x128xf32>
    %broadcast_in_dim3A_423 = vector.broadcast %broadcast_in_dim3A_422 : vector<1x128xf32> to vector<1024x128xf32>
    %select_n3A_424 = arith.select %gt3A_417, %broadcast_in_dim3A_423, %select_n3A_415 : vector<1024x128xi1>, vector<1024x128xf32>
    %slice3A_425 = vector.extract_strided_slice %dot_general3A_18 {offsets = [0, 5888], sizes = [1024, 128], strides = [1, 1]} : vector<1024x16384xf32> to vector<1024x128xf32>
    %gt3A_426 = arith.cmpf ogt, %slice3A_425, %max3A_418 : vector<1024x128xf32>
    %max3A_427 = arith.maximumf %slice3A_425, %max3A_418 : vector<1024x128xf32>
    %add3A_428 = arith.constant 5.888000e+03 : f32
    %add3A_429 = vector.broadcast %add3A_428 : f32 to vector<1x128xf32>
    %add3A_430 = arith.addf %get3A_21, %add3A_429 : vector<1x128xf32>
    %broadcast_in_dim3A_431 = vector.shape_cast %add3A_430 : vector<1x128xf32> to vector<1x128xf32>
    %broadcast_in_dim3A_432 = vector.broadcast %broadcast_in_dim3A_431 : vector<1x128xf32> to vector<1024x128xf32>
    %select_n3A_433 = arith.select %gt3A_426, %broadcast_in_dim3A_432, %select_n3A_424 : vector<1024x128xi1>, vector<1024x128xf32>
    %slice3A_434 = vector.extract_strided_slice %dot_general3A_18 {offsets = [0, 6016], sizes = [1024, 128], strides = [1, 1]} : vector<1024x16384xf32> to vector<1024x128xf32>
    %gt3A_435 = arith.cmpf ogt, %slice3A_434, %max3A_427 : vector<1024x128xf32>
    %max3A_436 = arith.maximumf %slice3A_434, %max3A_427 : vector<1024x128xf32>
    %add3A_437 = arith.constant 6.016000e+03 : f32
    %add3A_438 = vector.broadcast %add3A_437 : f32 to vector<1x128xf32>
    %add3A_439 = arith.addf %get3A_21, %add3A_438 : vector<1x128xf32>
    %broadcast_in_dim3A_440 = vector.shape_cast %add3A_439 : vector<1x128xf32> to vector<1x128xf32>
    %broadcast_in_dim3A_441 = vector.broadcast %broadcast_in_dim3A_440 : vector<1x128xf32> to vector<1024x128xf32>
    %select_n3A_442 = arith.select %gt3A_435, %broadcast_in_dim3A_441, %select_n3A_433 : vector<1024x128xi1>, vector<1024x128xf32>
    %slice3A_443 = vector.extract_strided_slice %dot_general3A_18 {offsets = [0, 6144], sizes = [1024, 128], strides = [1, 1]} : vector<1024x16384xf32> to vector<1024x128xf32>
    %gt3A_444 = arith.cmpf ogt, %slice3A_443, %max3A_436 : vector<1024x128xf32>
    %max3A_445 = arith.maximumf %slice3A_443, %max3A_436 : vector<1024x128xf32>
    %add3A_446 = arith.constant 6.144000e+03 : f32
    %add3A_447 = vector.broadcast %add3A_446 : f32 to vector<1x128xf32>
    %add3A_448 = arith.addf %get3A_21, %add3A_447 : vector<1x128xf32>
    %broadcast_in_dim3A_449 = vector.shape_cast %add3A_448 : vector<1x128xf32> to vector<1x128xf32>
    %broadcast_in_dim3A_450 = vector.broadcast %broadcast_in_dim3A_449 : vector<1x128xf32> to vector<1024x128xf32>
    %select_n3A_451 = arith.select %gt3A_444, %broadcast_in_dim3A_450, %select_n3A_442 : vector<1024x128xi1>, vector<1024x128xf32>
    %slice3A_452 = vector.extract_strided_slice %dot_general3A_18 {offsets = [0, 6272], sizes = [1024, 128], strides = [1, 1]} : vector<1024x16384xf32> to vector<1024x128xf32>
    %gt3A_453 = arith.cmpf ogt, %slice3A_452, %max3A_445 : vector<1024x128xf32>
    %max3A_454 = arith.maximumf %slice3A_452, %max3A_445 : vector<1024x128xf32>
    %add3A_455 = arith.constant 6.272000e+03 : f32
    %add3A_456 = vector.broadcast %add3A_455 : f32 to vector<1x128xf32>
    %add3A_457 = arith.addf %get3A_21, %add3A_456 : vector<1x128xf32>
    %broadcast_in_dim3A_458 = vector.shape_cast %add3A_457 : vector<1x128xf32> to vector<1x128xf32>
    %broadcast_in_dim3A_459 = vector.broadcast %broadcast_in_dim3A_458 : vector<1x128xf32> to vector<1024x128xf32>
    %select_n3A_460 = arith.select %gt3A_453, %broadcast_in_dim3A_459, %select_n3A_451 : vector<1024x128xi1>, vector<1024x128xf32>
    %slice3A_461 = vector.extract_strided_slice %dot_general3A_18 {offsets = [0, 6400], sizes = [1024, 128], strides = [1, 1]} : vector<1024x16384xf32> to vector<1024x128xf32>
    %gt3A_462 = arith.cmpf ogt, %slice3A_461, %max3A_454 : vector<1024x128xf32>
    %max3A_463 = arith.maximumf %slice3A_461, %max3A_454 : vector<1024x128xf32>
    %add3A_464 = arith.constant 6.400000e+03 : f32
    %add3A_465 = vector.broadcast %add3A_464 : f32 to vector<1x128xf32>
    %add3A_466 = arith.addf %get3A_21, %add3A_465 : vector<1x128xf32>
    %broadcast_in_dim3A_467 = vector.shape_cast %add3A_466 : vector<1x128xf32> to vector<1x128xf32>
    %broadcast_in_dim3A_468 = vector.broadcast %broadcast_in_dim3A_467 : vector<1x128xf32> to vector<1024x128xf32>
    %select_n3A_469 = arith.select %gt3A_462, %broadcast_in_dim3A_468, %select_n3A_460 : vector<1024x128xi1>, vector<1024x128xf32>
    %slice3A_470 = vector.extract_strided_slice %dot_general3A_18 {offsets = [0, 6528], sizes = [1024, 128], strides = [1, 1]} : vector<1024x16384xf32> to vector<1024x128xf32>
    %gt3A_471 = arith.cmpf ogt, %slice3A_470, %max3A_463 : vector<1024x128xf32>
    %max3A_472 = arith.maximumf %slice3A_470, %max3A_463 : vector<1024x128xf32>
    %add3A_473 = arith.constant 6.528000e+03 : f32
    %add3A_474 = vector.broadcast %add3A_473 : f32 to vector<1x128xf32>
    %add3A_475 = arith.addf %get3A_21, %add3A_474 : vector<1x128xf32>
    %broadcast_in_dim3A_476 = vector.shape_cast %add3A_475 : vector<1x128xf32> to vector<1x128xf32>
    %broadcast_in_dim3A_477 = vector.broadcast %broadcast_in_dim3A_476 : vector<1x128xf32> to vector<1024x128xf32>
    %select_n3A_478 = arith.select %gt3A_471, %broadcast_in_dim3A_477, %select_n3A_469 : vector<1024x128xi1>, vector<1024x128xf32>
    %slice3A_479 = vector.extract_strided_slice %dot_general3A_18 {offsets = [0, 6656], sizes = [1024, 128], strides = [1, 1]} : vector<1024x16384xf32> to vector<1024x128xf32>
    %gt3A_480 = arith.cmpf ogt, %slice3A_479, %max3A_472 : vector<1024x128xf32>
    %max3A_481 = arith.maximumf %slice3A_479, %max3A_472 : vector<1024x128xf32>
    %add3A_482 = arith.constant 6.656000e+03 : f32
    %add3A_483 = vector.broadcast %add3A_482 : f32 to vector<1x128xf32>
    %add3A_484 = arith.addf %get3A_21, %add3A_483 : vector<1x128xf32>
    %broadcast_in_dim3A_485 = vector.shape_cast %add3A_484 : vector<1x128xf32> to vector<1x128xf32>
    %broadcast_in_dim3A_486 = vector.broadcast %broadcast_in_dim3A_485 : vector<1x128xf32> to vector<1024x128xf32>
    %select_n3A_487 = arith.select %gt3A_480, %broadcast_in_dim3A_486, %select_n3A_478 : vector<1024x128xi1>, vector<1024x128xf32>
    %slice3A_488 = vector.extract_strided_slice %dot_general3A_18 {offsets = [0, 6784], sizes = [1024, 128], strides = [1, 1]} : vector<1024x16384xf32> to vector<1024x128xf32>
    %gt3A_489 = arith.cmpf ogt, %slice3A_488, %max3A_481 : vector<1024x128xf32>
    %max3A_490 = arith.maximumf %slice3A_488, %max3A_481 : vector<1024x128xf32>
    %add3A_491 = arith.constant 6.784000e+03 : f32
    %add3A_492 = vector.broadcast %add3A_491 : f32 to vector<1x128xf32>
    %add3A_493 = arith.addf %get3A_21, %add3A_492 : vector<1x128xf32>
    %broadcast_in_dim3A_494 = vector.shape_cast %add3A_493 : vector<1x128xf32> to vector<1x128xf32>
    %broadcast_in_dim3A_495 = vector.broadcast %broadcast_in_dim3A_494 : vector<1x128xf32> to vector<1024x128xf32>
    %select_n3A_496 = arith.select %gt3A_489, %broadcast_in_dim3A_495, %select_n3A_487 : vector<1024x128xi1>, vector<1024x128xf32>
    %slice3A_497 = vector.extract_strided_slice %dot_general3A_18 {offsets = [0, 6912], sizes = [1024, 128], strides = [1, 1]} : vector<1024x16384xf32> to vector<1024x128xf32>
    %gt3A_498 = arith.cmpf ogt, %slice3A_497, %max3A_490 : vector<1024x128xf32>
    %max3A_499 = arith.maximumf %slice3A_497, %max3A_490 : vector<1024x128xf32>
    %add3A_500 = arith.constant 6.912000e+03 : f32
    %add3A_501 = vector.broadcast %add3A_500 : f32 to vector<1x128xf32>
    %add3A_502 = arith.addf %get3A_21, %add3A_501 : vector<1x128xf32>
    %broadcast_in_dim3A_503 = vector.shape_cast %add3A_502 : vector<1x128xf32> to vector<1x128xf32>
    %broadcast_in_dim3A_504 = vector.broadcast %broadcast_in_dim3A_503 : vector<1x128xf32> to vector<1024x128xf32>
    %select_n3A_505 = arith.select %gt3A_498, %broadcast_in_dim3A_504, %select_n3A_496 : vector<1024x128xi1>, vector<1024x128xf32>
    %slice3A_506 = vector.extract_strided_slice %dot_general3A_18 {offsets = [0, 7040], sizes = [1024, 128], strides = [1, 1]} : vector<1024x16384xf32> to vector<1024x128xf32>
    %gt3A_507 = arith.cmpf ogt, %slice3A_506, %max3A_499 : vector<1024x128xf32>
    %max3A_508 = arith.maximumf %slice3A_506, %max3A_499 : vector<1024x128xf32>
    %add3A_509 = arith.constant 7.040000e+03 : f32
    %add3A_510 = vector.broadcast %add3A_509 : f32 to vector<1x128xf32>
    %add3A_511 = arith.addf %get3A_21, %add3A_510 : vector<1x128xf32>
    %broadcast_in_dim3A_512 = vector.shape_cast %add3A_511 : vector<1x128xf32> to vector<1x128xf32>
    %broadcast_in_dim3A_513 = vector.broadcast %broadcast_in_dim3A_512 : vector<1x128xf32> to vector<1024x128xf32>
    %select_n3A_514 = arith.select %gt3A_507, %broadcast_in_dim3A_513, %select_n3A_505 : vector<1024x128xi1>, vector<1024x128xf32>
    %slice3A_515 = vector.extract_strided_slice %dot_general3A_18 {offsets = [0, 7168], sizes = [1024, 128], strides = [1, 1]} : vector<1024x16384xf32> to vector<1024x128xf32>
    %gt3A_516 = arith.cmpf ogt, %slice3A_515, %max3A_508 : vector<1024x128xf32>
    %max3A_517 = arith.maximumf %slice3A_515, %max3A_508 : vector<1024x128xf32>
    %add3A_518 = arith.constant 7.168000e+03 : f32
    %add3A_519 = vector.broadcast %add3A_518 : f32 to vector<1x128xf32>
    %add3A_520 = arith.addf %get3A_21, %add3A_519 : vector<1x128xf32>
    %broadcast_in_dim3A_521 = vector.shape_cast %add3A_520 : vector<1x128xf32> to vector<1x128xf32>
    %broadcast_in_dim3A_522 = vector.broadcast %broadcast_in_dim3A_521 : vector<1x128xf32> to vector<1024x128xf32>
    %select_n3A_523 = arith.select %gt3A_516, %broadcast_in_dim3A_522, %select_n3A_514 : vector<1024x128xi1>, vector<1024x128xf32>
    %slice3A_524 = vector.extract_strided_slice %dot_general3A_18 {offsets = [0, 7296], sizes = [1024, 128], strides = [1, 1]} : vector<1024x16384xf32> to vector<1024x128xf32>
    %gt3A_525 = arith.cmpf ogt, %slice3A_524, %max3A_517 : vector<1024x128xf32>
    %max3A_526 = arith.maximumf %slice3A_524, %max3A_517 : vector<1024x128xf32>
    %add3A_527 = arith.constant 7.296000e+03 : f32
    %add3A_528 = vector.broadcast %add3A_527 : f32 to vector<1x128xf32>
    %add3A_529 = arith.addf %get3A_21, %add3A_528 : vector<1x128xf32>
    %broadcast_in_dim3A_530 = vector.shape_cast %add3A_529 : vector<1x128xf32> to vector<1x128xf32>
    %broadcast_in_dim3A_531 = vector.broadcast %broadcast_in_dim3A_530 : vector<1x128xf32> to vector<1024x128xf32>
    %select_n3A_532 = arith.select %gt3A_525, %broadcast_in_dim3A_531, %select_n3A_523 : vector<1024x128xi1>, vector<1024x128xf32>
    %slice3A_533 = vector.extract_strided_slice %dot_general3A_18 {offsets = [0, 7424], sizes = [1024, 128], strides = [1, 1]} : vector<1024x16384xf32> to vector<1024x128xf32>
    %gt3A_534 = arith.cmpf ogt, %slice3A_533, %max3A_526 : vector<1024x128xf32>
    %max3A_535 = arith.maximumf %slice3A_533, %max3A_526 : vector<1024x128xf32>
    %add3A_536 = arith.constant 7.424000e+03 : f32
    %add3A_537 = vector.broadcast %add3A_536 : f32 to vector<1x128xf32>
    %add3A_538 = arith.addf %get3A_21, %add3A_537 : vector<1x128xf32>
    %broadcast_in_dim3A_539 = vector.shape_cast %add3A_538 : vector<1x128xf32> to vector<1x128xf32>
    %broadcast_in_dim3A_540 = vector.broadcast %broadcast_in_dim3A_539 : vector<1x128xf32> to vector<1024x128xf32>
    %select_n3A_541 = arith.select %gt3A_534, %broadcast_in_dim3A_540, %select_n3A_532 : vector<1024x128xi1>, vector<1024x128xf32>
    %slice3A_542 = vector.extract_strided_slice %dot_general3A_18 {offsets = [0, 7552], sizes = [1024, 128], strides = [1, 1]} : vector<1024x16384xf32> to vector<1024x128xf32>
    %gt3A_543 = arith.cmpf ogt, %slice3A_542, %max3A_535 : vector<1024x128xf32>
    %max3A_544 = arith.maximumf %slice3A_542, %max3A_535 : vector<1024x128xf32>
    %add3A_545 = arith.constant 7.552000e+03 : f32
    %add3A_546 = vector.broadcast %add3A_545 : f32 to vector<1x128xf32>
    %add3A_547 = arith.addf %get3A_21, %add3A_546 : vector<1x128xf32>
    %broadcast_in_dim3A_548 = vector.shape_cast %add3A_547 : vector<1x128xf32> to vector<1x128xf32>
    %broadcast_in_dim3A_549 = vector.broadcast %broadcast_in_dim3A_548 : vector<1x128xf32> to vector<1024x128xf32>
    %select_n3A_550 = arith.select %gt3A_543, %broadcast_in_dim3A_549, %select_n3A_541 : vector<1024x128xi1>, vector<1024x128xf32>
    %slice3A_551 = vector.extract_strided_slice %dot_general3A_18 {offsets = [0, 7680], sizes = [1024, 128], strides = [1, 1]} : vector<1024x16384xf32> to vector<1024x128xf32>
    %gt3A_552 = arith.cmpf ogt, %slice3A_551, %max3A_544 : vector<1024x128xf32>
    %max3A_553 = arith.maximumf %slice3A_551, %max3A_544 : vector<1024x128xf32>
    %add3A_554 = arith.constant 7.680000e+03 : f32
    %add3A_555 = vector.broadcast %add3A_554 : f32 to vector<1x128xf32>
    %add3A_556 = arith.addf %get3A_21, %add3A_555 : vector<1x128xf32>
    %broadcast_in_dim3A_557 = vector.shape_cast %add3A_556 : vector<1x128xf32> to vector<1x128xf32>
    %broadcast_in_dim3A_558 = vector.broadcast %broadcast_in_dim3A_557 : vector<1x128xf32> to vector<1024x128xf32>
    %select_n3A_559 = arith.select %gt3A_552, %broadcast_in_dim3A_558, %select_n3A_550 : vector<1024x128xi1>, vector<1024x128xf32>
    %slice3A_560 = vector.extract_strided_slice %dot_general3A_18 {offsets = [0, 7808], sizes = [1024, 128], strides = [1, 1]} : vector<1024x16384xf32> to vector<1024x128xf32>
    %gt3A_561 = arith.cmpf ogt, %slice3A_560, %max3A_553 : vector<1024x128xf32>
    %max3A_562 = arith.maximumf %slice3A_560, %max3A_553 : vector<1024x128xf32>
    %add3A_563 = arith.constant 7.808000e+03 : f32
    %add3A_564 = vector.broadcast %add3A_563 : f32 to vector<1x128xf32>
    %add3A_565 = arith.addf %get3A_21, %add3A_564 : vector<1x128xf32>
    %broadcast_in_dim3A_566 = vector.shape_cast %add3A_565 : vector<1x128xf32> to vector<1x128xf32>
    %broadcast_in_dim3A_567 = vector.broadcast %broadcast_in_dim3A_566 : vector<1x128xf32> to vector<1024x128xf32>
    %select_n3A_568 = arith.select %gt3A_561, %broadcast_in_dim3A_567, %select_n3A_559 : vector<1024x128xi1>, vector<1024x128xf32>
    %slice3A_569 = vector.extract_strided_slice %dot_general3A_18 {offsets = [0, 7936], sizes = [1024, 128], strides = [1, 1]} : vector<1024x16384xf32> to vector<1024x128xf32>
    %gt3A_570 = arith.cmpf ogt, %slice3A_569, %max3A_562 : vector<1024x128xf32>
    %max3A_571 = arith.maximumf %slice3A_569, %max3A_562 : vector<1024x128xf32>
    %add3A_572 = arith.constant 7.936000e+03 : f32
    %add3A_573 = vector.broadcast %add3A_572 : f32 to vector<1x128xf32>
    %add3A_574 = arith.addf %get3A_21, %add3A_573 : vector<1x128xf32>
    %broadcast_in_dim3A_575 = vector.shape_cast %add3A_574 : vector<1x128xf32> to vector<1x128xf32>
    %broadcast_in_dim3A_576 = vector.broadcast %broadcast_in_dim3A_575 : vector<1x128xf32> to vector<1024x128xf32>
    %select_n3A_577 = arith.select %gt3A_570, %broadcast_in_dim3A_576, %select_n3A_568 : vector<1024x128xi1>, vector<1024x128xf32>
    %slice3A_578 = vector.extract_strided_slice %dot_general3A_18 {offsets = [0, 8064], sizes = [1024, 128], strides = [1, 1]} : vector<1024x16384xf32> to vector<1024x128xf32>
    %gt3A_579 = arith.cmpf ogt, %slice3A_578, %max3A_571 : vector<1024x128xf32>
    %max3A_580 = arith.maximumf %slice3A_578, %max3A_571 : vector<1024x128xf32>
    %add3A_581 = arith.constant 8.064000e+03 : f32
    %add3A_582 = vector.broadcast %add3A_581 : f32 to vector<1x128xf32>
    %add3A_583 = arith.addf %get3A_21, %add3A_582 : vector<1x128xf32>
    %broadcast_in_dim3A_584 = vector.shape_cast %add3A_583 : vector<1x128xf32> to vector<1x128xf32>
    %broadcast_in_dim3A_585 = vector.broadcast %broadcast_in_dim3A_584 : vector<1x128xf32> to vector<1024x128xf32>
    %select_n3A_586 = arith.select %gt3A_579, %broadcast_in_dim3A_585, %select_n3A_577 : vector<1024x128xi1>, vector<1024x128xf32>
    %slice3A_587 = vector.extract_strided_slice %dot_general3A_18 {offsets = [0, 8192], sizes = [1024, 128], strides = [1, 1]} : vector<1024x16384xf32> to vector<1024x128xf32>
    %gt3A_588 = arith.cmpf ogt, %slice3A_587, %max3A_580 : vector<1024x128xf32>
    %max3A_589 = arith.maximumf %slice3A_587, %max3A_580 : vector<1024x128xf32>
    %add3A_590 = arith.constant 8.192000e+03 : f32
    %add3A_591 = vector.broadcast %add3A_590 : f32 to vector<1x128xf32>
    %add3A_592 = arith.addf %get3A_21, %add3A_591 : vector<1x128xf32>
    %broadcast_in_dim3A_593 = vector.shape_cast %add3A_592 : vector<1x128xf32> to vector<1x128xf32>
    %broadcast_in_dim3A_594 = vector.broadcast %broadcast_in_dim3A_593 : vector<1x128xf32> to vector<1024x128xf32>
    %select_n3A_595 = arith.select %gt3A_588, %broadcast_in_dim3A_594, %select_n3A_586 : vector<1024x128xi1>, vector<1024x128xf32>
    %slice3A_596 = vector.extract_strided_slice %dot_general3A_18 {offsets = [0, 8320], sizes = [1024, 128], strides = [1, 1]} : vector<1024x16384xf32> to vector<1024x128xf32>
    %gt3A_597 = arith.cmpf ogt, %slice3A_596, %max3A_589 : vector<1024x128xf32>
    %max3A_598 = arith.maximumf %slice3A_596, %max3A_589 : vector<1024x128xf32>
    %add3A_599 = arith.constant 8.320000e+03 : f32
    %add3A_600 = vector.broadcast %add3A_599 : f32 to vector<1x128xf32>
    %add3A_601 = arith.addf %get3A_21, %add3A_600 : vector<1x128xf32>
    %broadcast_in_dim3A_602 = vector.shape_cast %add3A_601 : vector<1x128xf32> to vector<1x128xf32>
    %broadcast_in_dim3A_603 = vector.broadcast %broadcast_in_dim3A_602 : vector<1x128xf32> to vector<1024x128xf32>
    %select_n3A_604 = arith.select %gt3A_597, %broadcast_in_dim3A_603, %select_n3A_595 : vector<1024x128xi1>, vector<1024x128xf32>
    %slice3A_605 = vector.extract_strided_slice %dot_general3A_18 {offsets = [0, 8448], sizes = [1024, 128], strides = [1, 1]} : vector<1024x16384xf32> to vector<1024x128xf32>
    %gt3A_606 = arith.cmpf ogt, %slice3A_605, %max3A_598 : vector<1024x128xf32>
    %max3A_607 = arith.maximumf %slice3A_605, %max3A_598 : vector<1024x128xf32>
    %add3A_608 = arith.constant 8.448000e+03 : f32
    %add3A_609 = vector.broadcast %add3A_608 : f32 to vector<1x128xf32>
    %add3A_610 = arith.addf %get3A_21, %add3A_609 : vector<1x128xf32>
    %broadcast_in_dim3A_611 = vector.shape_cast %add3A_610 : vector<1x128xf32> to vector<1x128xf32>
    %broadcast_in_dim3A_612 = vector.broadcast %broadcast_in_dim3A_611 : vector<1x128xf32> to vector<1024x128xf32>
    %select_n3A_613 = arith.select %gt3A_606, %broadcast_in_dim3A_612, %select_n3A_604 : vector<1024x128xi1>, vector<1024x128xf32>
    %slice3A_614 = vector.extract_strided_slice %dot_general3A_18 {offsets = [0, 8576], sizes = [1024, 128], strides = [1, 1]} : vector<1024x16384xf32> to vector<1024x128xf32>
    %gt3A_615 = arith.cmpf ogt, %slice3A_614, %max3A_607 : vector<1024x128xf32>
    %max3A_616 = arith.maximumf %slice3A_614, %max3A_607 : vector<1024x128xf32>
    %add3A_617 = arith.constant 8.576000e+03 : f32
    %add3A_618 = vector.broadcast %add3A_617 : f32 to vector<1x128xf32>
    %add3A_619 = arith.addf %get3A_21, %add3A_618 : vector<1x128xf32>
    %broadcast_in_dim3A_620 = vector.shape_cast %add3A_619 : vector<1x128xf32> to vector<1x128xf32>
    %broadcast_in_dim3A_621 = vector.broadcast %broadcast_in_dim3A_620 : vector<1x128xf32> to vector<1024x128xf32>
    %select_n3A_622 = arith.select %gt3A_615, %broadcast_in_dim3A_621, %select_n3A_613 : vector<1024x128xi1>, vector<1024x128xf32>
    %slice3A_623 = vector.extract_strided_slice %dot_general3A_18 {offsets = [0, 8704], sizes = [1024, 128], strides = [1, 1]} : vector<1024x16384xf32> to vector<1024x128xf32>
    %gt3A_624 = arith.cmpf ogt, %slice3A_623, %max3A_616 : vector<1024x128xf32>
    %max3A_625 = arith.maximumf %slice3A_623, %max3A_616 : vector<1024x128xf32>
    %add3A_626 = arith.constant 8.704000e+03 : f32
    %add3A_627 = vector.broadcast %add3A_626 : f32 to vector<1x128xf32>
    %add3A_628 = arith.addf %get3A_21, %add3A_627 : vector<1x128xf32>
    %broadcast_in_dim3A_629 = vector.shape_cast %add3A_628 : vector<1x128xf32> to vector<1x128xf32>
    %broadcast_in_dim3A_630 = vector.broadcast %broadcast_in_dim3A_629 : vector<1x128xf32> to vector<1024x128xf32>
    %select_n3A_631 = arith.select %gt3A_624, %broadcast_in_dim3A_630, %select_n3A_622 : vector<1024x128xi1>, vector<1024x128xf32>
    %slice3A_632 = vector.extract_strided_slice %dot_general3A_18 {offsets = [0, 8832], sizes = [1024, 128], strides = [1, 1]} : vector<1024x16384xf32> to vector<1024x128xf32>
    %gt3A_633 = arith.cmpf ogt, %slice3A_632, %max3A_625 : vector<1024x128xf32>
    %max3A_634 = arith.maximumf %slice3A_632, %max3A_625 : vector<1024x128xf32>
    %add3A_635 = arith.constant 8.832000e+03 : f32
    %add3A_636 = vector.broadcast %add3A_635 : f32 to vector<1x128xf32>
    %add3A_637 = arith.addf %get3A_21, %add3A_636 : vector<1x128xf32>
    %broadcast_in_dim3A_638 = vector.shape_cast %add3A_637 : vector<1x128xf32> to vector<1x128xf32>
    %broadcast_in_dim3A_639 = vector.broadcast %broadcast_in_dim3A_638 : vector<1x128xf32> to vector<1024x128xf32>
    %select_n3A_640 = arith.select %gt3A_633, %broadcast_in_dim3A_639, %select_n3A_631 : vector<1024x128xi1>, vector<1024x128xf32>
    %slice3A_641 = vector.extract_strided_slice %dot_general3A_18 {offsets = [0, 8960], sizes = [1024, 128], strides = [1, 1]} : vector<1024x16384xf32> to vector<1024x128xf32>
    %gt3A_642 = arith.cmpf ogt, %slice3A_641, %max3A_634 : vector<1024x128xf32>
    %max3A_643 = arith.maximumf %slice3A_641, %max3A_634 : vector<1024x128xf32>
    %add3A_644 = arith.constant 8.960000e+03 : f32
    %add3A_645 = vector.broadcast %add3A_644 : f32 to vector<1x128xf32>
    %add3A_646 = arith.addf %get3A_21, %add3A_645 : vector<1x128xf32>
    %broadcast_in_dim3A_647 = vector.shape_cast %add3A_646 : vector<1x128xf32> to vector<1x128xf32>
    %broadcast_in_dim3A_648 = vector.broadcast %broadcast_in_dim3A_647 : vector<1x128xf32> to vector<1024x128xf32>
    %select_n3A_649 = arith.select %gt3A_642, %broadcast_in_dim3A_648, %select_n3A_640 : vector<1024x128xi1>, vector<1024x128xf32>
    %slice3A_650 = vector.extract_strided_slice %dot_general3A_18 {offsets = [0, 9088], sizes = [1024, 128], strides = [1, 1]} : vector<1024x16384xf32> to vector<1024x128xf32>
    %gt3A_651 = arith.cmpf ogt, %slice3A_650, %max3A_643 : vector<1024x128xf32>
    %max3A_652 = arith.maximumf %slice3A_650, %max3A_643 : vector<1024x128xf32>
    %add3A_653 = arith.constant 9.088000e+03 : f32
    %add3A_654 = vector.broadcast %add3A_653 : f32 to vector<1x128xf32>
    %add3A_655 = arith.addf %get3A_21, %add3A_654 : vector<1x128xf32>
    %broadcast_in_dim3A_656 = vector.shape_cast %add3A_655 : vector<1x128xf32> to vector<1x128xf32>
    %broadcast_in_dim3A_657 = vector.broadcast %broadcast_in_dim3A_656 : vector<1x128xf32> to vector<1024x128xf32>
    %select_n3A_658 = arith.select %gt3A_651, %broadcast_in_dim3A_657, %select_n3A_649 : vector<1024x128xi1>, vector<1024x128xf32>
    %slice3A_659 = vector.extract_strided_slice %dot_general3A_18 {offsets = [0, 9216], sizes = [1024, 128], strides = [1, 1]} : vector<1024x16384xf32> to vector<1024x128xf32>
    %gt3A_660 = arith.cmpf ogt, %slice3A_659, %max3A_652 : vector<1024x128xf32>
    %max3A_661 = arith.maximumf %slice3A_659, %max3A_652 : vector<1024x128xf32>
    %add3A_662 = arith.constant 9.216000e+03 : f32
    %add3A_663 = vector.broadcast %add3A_662 : f32 to vector<1x128xf32>
    %add3A_664 = arith.addf %get3A_21, %add3A_663 : vector<1x128xf32>
    %broadcast_in_dim3A_665 = vector.shape_cast %add3A_664 : vector<1x128xf32> to vector<1x128xf32>
    %broadcast_in_dim3A_666 = vector.broadcast %broadcast_in_dim3A_665 : vector<1x128xf32> to vector<1024x128xf32>
    %select_n3A_667 = arith.select %gt3A_660, %broadcast_in_dim3A_666, %select_n3A_658 : vector<1024x128xi1>, vector<1024x128xf32>
    %slice3A_668 = vector.extract_strided_slice %dot_general3A_18 {offsets = [0, 9344], sizes = [1024, 128], strides = [1, 1]} : vector<1024x16384xf32> to vector<1024x128xf32>
    %gt3A_669 = arith.cmpf ogt, %slice3A_668, %max3A_661 : vector<1024x128xf32>
    %max3A_670 = arith.maximumf %slice3A_668, %max3A_661 : vector<1024x128xf32>
    %add3A_671 = arith.constant 9.344000e+03 : f32
    %add3A_672 = vector.broadcast %add3A_671 : f32 to vector<1x128xf32>
    %add3A_673 = arith.addf %get3A_21, %add3A_672 : vector<1x128xf32>
    %broadcast_in_dim3A_674 = vector.shape_cast %add3A_673 : vector<1x128xf32> to vector<1x128xf32>
    %broadcast_in_dim3A_675 = vector.broadcast %broadcast_in_dim3A_674 : vector<1x128xf32> to vector<1024x128xf32>
    %select_n3A_676 = arith.select %gt3A_669, %broadcast_in_dim3A_675, %select_n3A_667 : vector<1024x128xi1>, vector<1024x128xf32>
    %slice3A_677 = vector.extract_strided_slice %dot_general3A_18 {offsets = [0, 9472], sizes = [1024, 128], strides = [1, 1]} : vector<1024x16384xf32> to vector<1024x128xf32>
    %gt3A_678 = arith.cmpf ogt, %slice3A_677, %max3A_670 : vector<1024x128xf32>
    %max3A_679 = arith.maximumf %slice3A_677, %max3A_670 : vector<1024x128xf32>
    %add3A_680 = arith.constant 9.472000e+03 : f32
    %add3A_681 = vector.broadcast %add3A_680 : f32 to vector<1x128xf32>
    %add3A_682 = arith.addf %get3A_21, %add3A_681 : vector<1x128xf32>
    %broadcast_in_dim3A_683 = vector.shape_cast %add3A_682 : vector<1x128xf32> to vector<1x128xf32>
    %broadcast_in_dim3A_684 = vector.broadcast %broadcast_in_dim3A_683 : vector<1x128xf32> to vector<1024x128xf32>
    %select_n3A_685 = arith.select %gt3A_678, %broadcast_in_dim3A_684, %select_n3A_676 : vector<1024x128xi1>, vector<1024x128xf32>
    %slice3A_686 = vector.extract_strided_slice %dot_general3A_18 {offsets = [0, 9600], sizes = [1024, 128], strides = [1, 1]} : vector<1024x16384xf32> to vector<1024x128xf32>
    %gt3A_687 = arith.cmpf ogt, %slice3A_686, %max3A_679 : vector<1024x128xf32>
    %max3A_688 = arith.maximumf %slice3A_686, %max3A_679 : vector<1024x128xf32>
    %add3A_689 = arith.constant 9.600000e+03 : f32
    %add3A_690 = vector.broadcast %add3A_689 : f32 to vector<1x128xf32>
    %add3A_691 = arith.addf %get3A_21, %add3A_690 : vector<1x128xf32>
    %broadcast_in_dim3A_692 = vector.shape_cast %add3A_691 : vector<1x128xf32> to vector<1x128xf32>
    %broadcast_in_dim3A_693 = vector.broadcast %broadcast_in_dim3A_692 : vector<1x128xf32> to vector<1024x128xf32>
    %select_n3A_694 = arith.select %gt3A_687, %broadcast_in_dim3A_693, %select_n3A_685 : vector<1024x128xi1>, vector<1024x128xf32>
    %slice3A_695 = vector.extract_strided_slice %dot_general3A_18 {offsets = [0, 9728], sizes = [1024, 128], strides = [1, 1]} : vector<1024x16384xf32> to vector<1024x128xf32>
    %gt3A_696 = arith.cmpf ogt, %slice3A_695, %max3A_688 : vector<1024x128xf32>
    %max3A_697 = arith.maximumf %slice3A_695, %max3A_688 : vector<1024x128xf32>
    %add3A_698 = arith.constant 9.728000e+03 : f32
    %add3A_699 = vector.broadcast %add3A_698 : f32 to vector<1x128xf32>
    %add3A_700 = arith.addf %get3A_21, %add3A_699 : vector<1x128xf32>
    %broadcast_in_dim3A_701 = vector.shape_cast %add3A_700 : vector<1x128xf32> to vector<1x128xf32>
    %broadcast_in_dim3A_702 = vector.broadcast %broadcast_in_dim3A_701 : vector<1x128xf32> to vector<1024x128xf32>
    %select_n3A_703 = arith.select %gt3A_696, %broadcast_in_dim3A_702, %select_n3A_694 : vector<1024x128xi1>, vector<1024x128xf32>
    %slice3A_704 = vector.extract_strided_slice %dot_general3A_18 {offsets = [0, 9856], sizes = [1024, 128], strides = [1, 1]} : vector<1024x16384xf32> to vector<1024x128xf32>
    %gt3A_705 = arith.cmpf ogt, %slice3A_704, %max3A_697 : vector<1024x128xf32>
    %max3A_706 = arith.maximumf %slice3A_704, %max3A_697 : vector<1024x128xf32>
    %add3A_707 = arith.constant 9.856000e+03 : f32
    %add3A_708 = vector.broadcast %add3A_707 : f32 to vector<1x128xf32>
    %add3A_709 = arith.addf %get3A_21, %add3A_708 : vector<1x128xf32>
    %broadcast_in_dim3A_710 = vector.shape_cast %add3A_709 : vector<1x128xf32> to vector<1x128xf32>
    %broadcast_in_dim3A_711 = vector.broadcast %broadcast_in_dim3A_710 : vector<1x128xf32> to vector<1024x128xf32>
    %select_n3A_712 = arith.select %gt3A_705, %broadcast_in_dim3A_711, %select_n3A_703 : vector<1024x128xi1>, vector<1024x128xf32>
    %slice3A_713 = vector.extract_strided_slice %dot_general3A_18 {offsets = [0, 9984], sizes = [1024, 128], strides = [1, 1]} : vector<1024x16384xf32> to vector<1024x128xf32>
    %gt3A_714 = arith.cmpf ogt, %slice3A_713, %max3A_706 : vector<1024x128xf32>
    %max3A_715 = arith.maximumf %slice3A_713, %max3A_706 : vector<1024x128xf32>
    %add3A_716 = arith.constant 9.984000e+03 : f32
    %add3A_717 = vector.broadcast %add3A_716 : f32 to vector<1x128xf32>
    %add3A_718 = arith.addf %get3A_21, %add3A_717 : vector<1x128xf32>
    %broadcast_in_dim3A_719 = vector.shape_cast %add3A_718 : vector<1x128xf32> to vector<1x128xf32>
    %broadcast_in_dim3A_720 = vector.broadcast %broadcast_in_dim3A_719 : vector<1x128xf32> to vector<1024x128xf32>
    %select_n3A_721 = arith.select %gt3A_714, %broadcast_in_dim3A_720, %select_n3A_712 : vector<1024x128xi1>, vector<1024x128xf32>
    %slice3A_722 = vector.extract_strided_slice %dot_general3A_18 {offsets = [0, 10112], sizes = [1024, 128], strides = [1, 1]} : vector<1024x16384xf32> to vector<1024x128xf32>
    %gt3A_723 = arith.cmpf ogt, %slice3A_722, %max3A_715 : vector<1024x128xf32>
    %max3A_724 = arith.maximumf %slice3A_722, %max3A_715 : vector<1024x128xf32>
    %add3A_725 = arith.constant 1.011200e+04 : f32
    %add3A_726 = vector.broadcast %add3A_725 : f32 to vector<1x128xf32>
    %add3A_727 = arith.addf %get3A_21, %add3A_726 : vector<1x128xf32>
    %broadcast_in_dim3A_728 = vector.shape_cast %add3A_727 : vector<1x128xf32> to vector<1x128xf32>
    %broadcast_in_dim3A_729 = vector.broadcast %broadcast_in_dim3A_728 : vector<1x128xf32> to vector<1024x128xf32>
    %select_n3A_730 = arith.select %gt3A_723, %broadcast_in_dim3A_729, %select_n3A_721 : vector<1024x128xi1>, vector<1024x128xf32>
    %slice3A_731 = vector.extract_strided_slice %dot_general3A_18 {offsets = [0, 10240], sizes = [1024, 128], strides = [1, 1]} : vector<1024x16384xf32> to vector<1024x128xf32>
    %gt3A_732 = arith.cmpf ogt, %slice3A_731, %max3A_724 : vector<1024x128xf32>
    %max3A_733 = arith.maximumf %slice3A_731, %max3A_724 : vector<1024x128xf32>
    %add3A_734 = arith.constant 1.024000e+04 : f32
    %add3A_735 = vector.broadcast %add3A_734 : f32 to vector<1x128xf32>
    %add3A_736 = arith.addf %get3A_21, %add3A_735 : vector<1x128xf32>
    %broadcast_in_dim3A_737 = vector.shape_cast %add3A_736 : vector<1x128xf32> to vector<1x128xf32>
    %broadcast_in_dim3A_738 = vector.broadcast %broadcast_in_dim3A_737 : vector<1x128xf32> to vector<1024x128xf32>
    %select_n3A_739 = arith.select %gt3A_732, %broadcast_in_dim3A_738, %select_n3A_730 : vector<1024x128xi1>, vector<1024x128xf32>
    %slice3A_740 = vector.extract_strided_slice %dot_general3A_18 {offsets = [0, 10368], sizes = [1024, 128], strides = [1, 1]} : vector<1024x16384xf32> to vector<1024x128xf32>
    %gt3A_741 = arith.cmpf ogt, %slice3A_740, %max3A_733 : vector<1024x128xf32>
    %max3A_742 = arith.maximumf %slice3A_740, %max3A_733 : vector<1024x128xf32>
    %add3A_743 = arith.constant 1.036800e+04 : f32
    %add3A_744 = vector.broadcast %add3A_743 : f32 to vector<1x128xf32>
    %add3A_745 = arith.addf %get3A_21, %add3A_744 : vector<1x128xf32>
    %broadcast_in_dim3A_746 = vector.shape_cast %add3A_745 : vector<1x128xf32> to vector<1x128xf32>
    %broadcast_in_dim3A_747 = vector.broadcast %broadcast_in_dim3A_746 : vector<1x128xf32> to vector<1024x128xf32>
    %select_n3A_748 = arith.select %gt3A_741, %broadcast_in_dim3A_747, %select_n3A_739 : vector<1024x128xi1>, vector<1024x128xf32>
    %slice3A_749 = vector.extract_strided_slice %dot_general3A_18 {offsets = [0, 10496], sizes = [1024, 128], strides = [1, 1]} : vector<1024x16384xf32> to vector<1024x128xf32>
    %gt3A_750 = arith.cmpf ogt, %slice3A_749, %max3A_742 : vector<1024x128xf32>
    %max3A_751 = arith.maximumf %slice3A_749, %max3A_742 : vector<1024x128xf32>
    %add3A_752 = arith.constant 1.049600e+04 : f32
    %add3A_753 = vector.broadcast %add3A_752 : f32 to vector<1x128xf32>
    %add3A_754 = arith.addf %get3A_21, %add3A_753 : vector<1x128xf32>
    %broadcast_in_dim3A_755 = vector.shape_cast %add3A_754 : vector<1x128xf32> to vector<1x128xf32>
    %broadcast_in_dim3A_756 = vector.broadcast %broadcast_in_dim3A_755 : vector<1x128xf32> to vector<1024x128xf32>
    %select_n3A_757 = arith.select %gt3A_750, %broadcast_in_dim3A_756, %select_n3A_748 : vector<1024x128xi1>, vector<1024x128xf32>
    %slice3A_758 = vector.extract_strided_slice %dot_general3A_18 {offsets = [0, 10624], sizes = [1024, 128], strides = [1, 1]} : vector<1024x16384xf32> to vector<1024x128xf32>
    %gt3A_759 = arith.cmpf ogt, %slice3A_758, %max3A_751 : vector<1024x128xf32>
    %max3A_760 = arith.maximumf %slice3A_758, %max3A_751 : vector<1024x128xf32>
    %add3A_761 = arith.constant 1.062400e+04 : f32
    %add3A_762 = vector.broadcast %add3A_761 : f32 to vector<1x128xf32>
    %add3A_763 = arith.addf %get3A_21, %add3A_762 : vector<1x128xf32>
    %broadcast_in_dim3A_764 = vector.shape_cast %add3A_763 : vector<1x128xf32> to vector<1x128xf32>
    %broadcast_in_dim3A_765 = vector.broadcast %broadcast_in_dim3A_764 : vector<1x128xf32> to vector<1024x128xf32>
    %select_n3A_766 = arith.select %gt3A_759, %broadcast_in_dim3A_765, %select_n3A_757 : vector<1024x128xi1>, vector<1024x128xf32>
    %slice3A_767 = vector.extract_strided_slice %dot_general3A_18 {offsets = [0, 10752], sizes = [1024, 128], strides = [1, 1]} : vector<1024x16384xf32> to vector<1024x128xf32>
    %gt3A_768 = arith.cmpf ogt, %slice3A_767, %max3A_760 : vector<1024x128xf32>
    %max3A_769 = arith.maximumf %slice3A_767, %max3A_760 : vector<1024x128xf32>
    %add3A_770 = arith.constant 1.075200e+04 : f32
    %add3A_771 = vector.broadcast %add3A_770 : f32 to vector<1x128xf32>
    %add3A_772 = arith.addf %get3A_21, %add3A_771 : vector<1x128xf32>
    %broadcast_in_dim3A_773 = vector.shape_cast %add3A_772 : vector<1x128xf32> to vector<1x128xf32>
    %broadcast_in_dim3A_774 = vector.broadcast %broadcast_in_dim3A_773 : vector<1x128xf32> to vector<1024x128xf32>
    %select_n3A_775 = arith.select %gt3A_768, %broadcast_in_dim3A_774, %select_n3A_766 : vector<1024x128xi1>, vector<1024x128xf32>
    %slice3A_776 = vector.extract_strided_slice %dot_general3A_18 {offsets = [0, 10880], sizes = [1024, 128], strides = [1, 1]} : vector<1024x16384xf32> to vector<1024x128xf32>
    %gt3A_777 = arith.cmpf ogt, %slice3A_776, %max3A_769 : vector<1024x128xf32>
    %max3A_778 = arith.maximumf %slice3A_776, %max3A_769 : vector<1024x128xf32>
    %add3A_779 = arith.constant 1.088000e+04 : f32
    %add3A_780 = vector.broadcast %add3A_779 : f32 to vector<1x128xf32>
    %add3A_781 = arith.addf %get3A_21, %add3A_780 : vector<1x128xf32>
    %broadcast_in_dim3A_782 = vector.shape_cast %add3A_781 : vector<1x128xf32> to vector<1x128xf32>
    %broadcast_in_dim3A_783 = vector.broadcast %broadcast_in_dim3A_782 : vector<1x128xf32> to vector<1024x128xf32>
    %select_n3A_784 = arith.select %gt3A_777, %broadcast_in_dim3A_783, %select_n3A_775 : vector<1024x128xi1>, vector<1024x128xf32>
    %slice3A_785 = vector.extract_strided_slice %dot_general3A_18 {offsets = [0, 11008], sizes = [1024, 128], strides = [1, 1]} : vector<1024x16384xf32> to vector<1024x128xf32>
    %gt3A_786 = arith.cmpf ogt, %slice3A_785, %max3A_778 : vector<1024x128xf32>
    %max3A_787 = arith.maximumf %slice3A_785, %max3A_778 : vector<1024x128xf32>
    %add3A_788 = arith.constant 1.100800e+04 : f32
    %add3A_789 = vector.broadcast %add3A_788 : f32 to vector<1x128xf32>
    %add3A_790 = arith.addf %get3A_21, %add3A_789 : vector<1x128xf32>
    %broadcast_in_dim3A_791 = vector.shape_cast %add3A_790 : vector<1x128xf32> to vector<1x128xf32>
    %broadcast_in_dim3A_792 = vector.broadcast %broadcast_in_dim3A_791 : vector<1x128xf32> to vector<1024x128xf32>
    %select_n3A_793 = arith.select %gt3A_786, %broadcast_in_dim3A_792, %select_n3A_784 : vector<1024x128xi1>, vector<1024x128xf32>
    %slice3A_794 = vector.extract_strided_slice %dot_general3A_18 {offsets = [0, 11136], sizes = [1024, 128], strides = [1, 1]} : vector<1024x16384xf32> to vector<1024x128xf32>
    %gt3A_795 = arith.cmpf ogt, %slice3A_794, %max3A_787 : vector<1024x128xf32>
    %max3A_796 = arith.maximumf %slice3A_794, %max3A_787 : vector<1024x128xf32>
    %add3A_797 = arith.constant 1.113600e+04 : f32
    %add3A_798 = vector.broadcast %add3A_797 : f32 to vector<1x128xf32>
    %add3A_799 = arith.addf %get3A_21, %add3A_798 : vector<1x128xf32>
    %broadcast_in_dim3A_800 = vector.shape_cast %add3A_799 : vector<1x128xf32> to vector<1x128xf32>
    %broadcast_in_dim3A_801 = vector.broadcast %broadcast_in_dim3A_800 : vector<1x128xf32> to vector<1024x128xf32>
    %select_n3A_802 = arith.select %gt3A_795, %broadcast_in_dim3A_801, %select_n3A_793 : vector<1024x128xi1>, vector<1024x128xf32>
    %slice3A_803 = vector.extract_strided_slice %dot_general3A_18 {offsets = [0, 11264], sizes = [1024, 128], strides = [1, 1]} : vector<1024x16384xf32> to vector<1024x128xf32>
    %gt3A_804 = arith.cmpf ogt, %slice3A_803, %max3A_796 : vector<1024x128xf32>
    %max3A_805 = arith.maximumf %slice3A_803, %max3A_796 : vector<1024x128xf32>
    %add3A_806 = arith.constant 1.126400e+04 : f32
    %add3A_807 = vector.broadcast %add3A_806 : f32 to vector<1x128xf32>
    %add3A_808 = arith.addf %get3A_21, %add3A_807 : vector<1x128xf32>
    %broadcast_in_dim3A_809 = vector.shape_cast %add3A_808 : vector<1x128xf32> to vector<1x128xf32>
    %broadcast_in_dim3A_810 = vector.broadcast %broadcast_in_dim3A_809 : vector<1x128xf32> to vector<1024x128xf32>
    %select_n3A_811 = arith.select %gt3A_804, %broadcast_in_dim3A_810, %select_n3A_802 : vector<1024x128xi1>, vector<1024x128xf32>
    %slice3A_812 = vector.extract_strided_slice %dot_general3A_18 {offsets = [0, 11392], sizes = [1024, 128], strides = [1, 1]} : vector<1024x16384xf32> to vector<1024x128xf32>
    %gt3A_813 = arith.cmpf ogt, %slice3A_812, %max3A_805 : vector<1024x128xf32>
    %max3A_814 = arith.maximumf %slice3A_812, %max3A_805 : vector<1024x128xf32>
    %add3A_815 = arith.constant 1.139200e+04 : f32
    %add3A_816 = vector.broadcast %add3A_815 : f32 to vector<1x128xf32>
    %add3A_817 = arith.addf %get3A_21, %add3A_816 : vector<1x128xf32>
    %broadcast_in_dim3A_818 = vector.shape_cast %add3A_817 : vector<1x128xf32> to vector<1x128xf32>
    %broadcast_in_dim3A_819 = vector.broadcast %broadcast_in_dim3A_818 : vector<1x128xf32> to vector<1024x128xf32>
    %select_n3A_820 = arith.select %gt3A_813, %broadcast_in_dim3A_819, %select_n3A_811 : vector<1024x128xi1>, vector<1024x128xf32>
    %slice3A_821 = vector.extract_strided_slice %dot_general3A_18 {offsets = [0, 11520], sizes = [1024, 128], strides = [1, 1]} : vector<1024x16384xf32> to vector<1024x128xf32>
    %gt3A_822 = arith.cmpf ogt, %slice3A_821, %max3A_814 : vector<1024x128xf32>
    %max3A_823 = arith.maximumf %slice3A_821, %max3A_814 : vector<1024x128xf32>
    %add3A_824 = arith.constant 1.152000e+04 : f32
    %add3A_825 = vector.broadcast %add3A_824 : f32 to vector<1x128xf32>
    %add3A_826 = arith.addf %get3A_21, %add3A_825 : vector<1x128xf32>
    %broadcast_in_dim3A_827 = vector.shape_cast %add3A_826 : vector<1x128xf32> to vector<1x128xf32>
    %broadcast_in_dim3A_828 = vector.broadcast %broadcast_in_dim3A_827 : vector<1x128xf32> to vector<1024x128xf32>
    %select_n3A_829 = arith.select %gt3A_822, %broadcast_in_dim3A_828, %select_n3A_820 : vector<1024x128xi1>, vector<1024x128xf32>
    %slice3A_830 = vector.extract_strided_slice %dot_general3A_18 {offsets = [0, 11648], sizes = [1024, 128], strides = [1, 1]} : vector<1024x16384xf32> to vector<1024x128xf32>
    %gt3A_831 = arith.cmpf ogt, %slice3A_830, %max3A_823 : vector<1024x128xf32>
    %max3A_832 = arith.maximumf %slice3A_830, %max3A_823 : vector<1024x128xf32>
    %add3A_833 = arith.constant 1.164800e+04 : f32
    %add3A_834 = vector.broadcast %add3A_833 : f32 to vector<1x128xf32>
    %add3A_835 = arith.addf %get3A_21, %add3A_834 : vector<1x128xf32>
    %broadcast_in_dim3A_836 = vector.shape_cast %add3A_835 : vector<1x128xf32> to vector<1x128xf32>
    %broadcast_in_dim3A_837 = vector.broadcast %broadcast_in_dim3A_836 : vector<1x128xf32> to vector<1024x128xf32>
    %select_n3A_838 = arith.select %gt3A_831, %broadcast_in_dim3A_837, %select_n3A_829 : vector<1024x128xi1>, vector<1024x128xf32>
    %slice3A_839 = vector.extract_strided_slice %dot_general3A_18 {offsets = [0, 11776], sizes = [1024, 128], strides = [1, 1]} : vector<1024x16384xf32> to vector<1024x128xf32>
    %gt3A_840 = arith.cmpf ogt, %slice3A_839, %max3A_832 : vector<1024x128xf32>
    %max3A_841 = arith.maximumf %slice3A_839, %max3A_832 : vector<1024x128xf32>
    %add3A_842 = arith.constant 1.177600e+04 : f32
    %add3A_843 = vector.broadcast %add3A_842 : f32 to vector<1x128xf32>
    %add3A_844 = arith.addf %get3A_21, %add3A_843 : vector<1x128xf32>
    %broadcast_in_dim3A_845 = vector.shape_cast %add3A_844 : vector<1x128xf32> to vector<1x128xf32>
    %broadcast_in_dim3A_846 = vector.broadcast %broadcast_in_dim3A_845 : vector<1x128xf32> to vector<1024x128xf32>
    %select_n3A_847 = arith.select %gt3A_840, %broadcast_in_dim3A_846, %select_n3A_838 : vector<1024x128xi1>, vector<1024x128xf32>
    %slice3A_848 = vector.extract_strided_slice %dot_general3A_18 {offsets = [0, 11904], sizes = [1024, 128], strides = [1, 1]} : vector<1024x16384xf32> to vector<1024x128xf32>
    %gt3A_849 = arith.cmpf ogt, %slice3A_848, %max3A_841 : vector<1024x128xf32>
    %max3A_850 = arith.maximumf %slice3A_848, %max3A_841 : vector<1024x128xf32>
    %add3A_851 = arith.constant 1.190400e+04 : f32
    %add3A_852 = vector.broadcast %add3A_851 : f32 to vector<1x128xf32>
    %add3A_853 = arith.addf %get3A_21, %add3A_852 : vector<1x128xf32>
    %broadcast_in_dim3A_854 = vector.shape_cast %add3A_853 : vector<1x128xf32> to vector<1x128xf32>
    %broadcast_in_dim3A_855 = vector.broadcast %broadcast_in_dim3A_854 : vector<1x128xf32> to vector<1024x128xf32>
    %select_n3A_856 = arith.select %gt3A_849, %broadcast_in_dim3A_855, %select_n3A_847 : vector<1024x128xi1>, vector<1024x128xf32>
    %slice3A_857 = vector.extract_strided_slice %dot_general3A_18 {offsets = [0, 12032], sizes = [1024, 128], strides = [1, 1]} : vector<1024x16384xf32> to vector<1024x128xf32>
    %gt3A_858 = arith.cmpf ogt, %slice3A_857, %max3A_850 : vector<1024x128xf32>
    %max3A_859 = arith.maximumf %slice3A_857, %max3A_850 : vector<1024x128xf32>
    %add3A_860 = arith.constant 1.203200e+04 : f32
    %add3A_861 = vector.broadcast %add3A_860 : f32 to vector<1x128xf32>
    %add3A_862 = arith.addf %get3A_21, %add3A_861 : vector<1x128xf32>
    %broadcast_in_dim3A_863 = vector.shape_cast %add3A_862 : vector<1x128xf32> to vector<1x128xf32>
    %broadcast_in_dim3A_864 = vector.broadcast %broadcast_in_dim3A_863 : vector<1x128xf32> to vector<1024x128xf32>
    %select_n3A_865 = arith.select %gt3A_858, %broadcast_in_dim3A_864, %select_n3A_856 : vector<1024x128xi1>, vector<1024x128xf32>
    %slice3A_866 = vector.extract_strided_slice %dot_general3A_18 {offsets = [0, 12160], sizes = [1024, 128], strides = [1, 1]} : vector<1024x16384xf32> to vector<1024x128xf32>
    %gt3A_867 = arith.cmpf ogt, %slice3A_866, %max3A_859 : vector<1024x128xf32>
    %max3A_868 = arith.maximumf %slice3A_866, %max3A_859 : vector<1024x128xf32>
    %add3A_869 = arith.constant 1.216000e+04 : f32
    %add3A_870 = vector.broadcast %add3A_869 : f32 to vector<1x128xf32>
    %add3A_871 = arith.addf %get3A_21, %add3A_870 : vector<1x128xf32>
    %broadcast_in_dim3A_872 = vector.shape_cast %add3A_871 : vector<1x128xf32> to vector<1x128xf32>
    %broadcast_in_dim3A_873 = vector.broadcast %broadcast_in_dim3A_872 : vector<1x128xf32> to vector<1024x128xf32>
    %select_n3A_874 = arith.select %gt3A_867, %broadcast_in_dim3A_873, %select_n3A_865 : vector<1024x128xi1>, vector<1024x128xf32>
    %slice3A_875 = vector.extract_strided_slice %dot_general3A_18 {offsets = [0, 12288], sizes = [1024, 128], strides = [1, 1]} : vector<1024x16384xf32> to vector<1024x128xf32>
    %gt3A_876 = arith.cmpf ogt, %slice3A_875, %max3A_868 : vector<1024x128xf32>
    %max3A_877 = arith.maximumf %slice3A_875, %max3A_868 : vector<1024x128xf32>
    %add3A_878 = arith.constant 1.228800e+04 : f32
    %add3A_879 = vector.broadcast %add3A_878 : f32 to vector<1x128xf32>
    %add3A_880 = arith.addf %get3A_21, %add3A_879 : vector<1x128xf32>
    %broadcast_in_dim3A_881 = vector.shape_cast %add3A_880 : vector<1x128xf32> to vector<1x128xf32>
    %broadcast_in_dim3A_882 = vector.broadcast %broadcast_in_dim3A_881 : vector<1x128xf32> to vector<1024x128xf32>
    %select_n3A_883 = arith.select %gt3A_876, %broadcast_in_dim3A_882, %select_n3A_874 : vector<1024x128xi1>, vector<1024x128xf32>
    %slice3A_884 = vector.extract_strided_slice %dot_general3A_18 {offsets = [0, 12416], sizes = [1024, 128], strides = [1, 1]} : vector<1024x16384xf32> to vector<1024x128xf32>
    %gt3A_885 = arith.cmpf ogt, %slice3A_884, %max3A_877 : vector<1024x128xf32>
    %max3A_886 = arith.maximumf %slice3A_884, %max3A_877 : vector<1024x128xf32>
    %add3A_887 = arith.constant 1.241600e+04 : f32
    %add3A_888 = vector.broadcast %add3A_887 : f32 to vector<1x128xf32>
    %add3A_889 = arith.addf %get3A_21, %add3A_888 : vector<1x128xf32>
    %broadcast_in_dim3A_890 = vector.shape_cast %add3A_889 : vector<1x128xf32> to vector<1x128xf32>
    %broadcast_in_dim3A_891 = vector.broadcast %broadcast_in_dim3A_890 : vector<1x128xf32> to vector<1024x128xf32>
    %select_n3A_892 = arith.select %gt3A_885, %broadcast_in_dim3A_891, %select_n3A_883 : vector<1024x128xi1>, vector<1024x128xf32>
    %slice3A_893 = vector.extract_strided_slice %dot_general3A_18 {offsets = [0, 12544], sizes = [1024, 128], strides = [1, 1]} : vector<1024x16384xf32> to vector<1024x128xf32>
    %gt3A_894 = arith.cmpf ogt, %slice3A_893, %max3A_886 : vector<1024x128xf32>
    %max3A_895 = arith.maximumf %slice3A_893, %max3A_886 : vector<1024x128xf32>
    %add3A_896 = arith.constant 1.254400e+04 : f32
    %add3A_897 = vector.broadcast %add3A_896 : f32 to vector<1x128xf32>
    %add3A_898 = arith.addf %get3A_21, %add3A_897 : vector<1x128xf32>
    %broadcast_in_dim3A_899 = vector.shape_cast %add3A_898 : vector<1x128xf32> to vector<1x128xf32>
    %broadcast_in_dim3A_900 = vector.broadcast %broadcast_in_dim3A_899 : vector<1x128xf32> to vector<1024x128xf32>
    %select_n3A_901 = arith.select %gt3A_894, %broadcast_in_dim3A_900, %select_n3A_892 : vector<1024x128xi1>, vector<1024x128xf32>
    %slice3A_902 = vector.extract_strided_slice %dot_general3A_18 {offsets = [0, 12672], sizes = [1024, 128], strides = [1, 1]} : vector<1024x16384xf32> to vector<1024x128xf32>
    %gt3A_903 = arith.cmpf ogt, %slice3A_902, %max3A_895 : vector<1024x128xf32>
    %max3A_904 = arith.maximumf %slice3A_902, %max3A_895 : vector<1024x128xf32>
    %add3A_905 = arith.constant 1.267200e+04 : f32
    %add3A_906 = vector.broadcast %add3A_905 : f32 to vector<1x128xf32>
    %add3A_907 = arith.addf %get3A_21, %add3A_906 : vector<1x128xf32>
    %broadcast_in_dim3A_908 = vector.shape_cast %add3A_907 : vector<1x128xf32> to vector<1x128xf32>
    %broadcast_in_dim3A_909 = vector.broadcast %broadcast_in_dim3A_908 : vector<1x128xf32> to vector<1024x128xf32>
    %select_n3A_910 = arith.select %gt3A_903, %broadcast_in_dim3A_909, %select_n3A_901 : vector<1024x128xi1>, vector<1024x128xf32>
    %slice3A_911 = vector.extract_strided_slice %dot_general3A_18 {offsets = [0, 12800], sizes = [1024, 128], strides = [1, 1]} : vector<1024x16384xf32> to vector<1024x128xf32>
    %gt3A_912 = arith.cmpf ogt, %slice3A_911, %max3A_904 : vector<1024x128xf32>
    %max3A_913 = arith.maximumf %slice3A_911, %max3A_904 : vector<1024x128xf32>
    %add3A_914 = arith.constant 1.280000e+04 : f32
    %add3A_915 = vector.broadcast %add3A_914 : f32 to vector<1x128xf32>
    %add3A_916 = arith.addf %get3A_21, %add3A_915 : vector<1x128xf32>
    %broadcast_in_dim3A_917 = vector.shape_cast %add3A_916 : vector<1x128xf32> to vector<1x128xf32>
    %broadcast_in_dim3A_918 = vector.broadcast %broadcast_in_dim3A_917 : vector<1x128xf32> to vector<1024x128xf32>
    %select_n3A_919 = arith.select %gt3A_912, %broadcast_in_dim3A_918, %select_n3A_910 : vector<1024x128xi1>, vector<1024x128xf32>
    %slice3A_920 = vector.extract_strided_slice %dot_general3A_18 {offsets = [0, 12928], sizes = [1024, 128], strides = [1, 1]} : vector<1024x16384xf32> to vector<1024x128xf32>
    %gt3A_921 = arith.cmpf ogt, %slice3A_920, %max3A_913 : vector<1024x128xf32>
    %max3A_922 = arith.maximumf %slice3A_920, %max3A_913 : vector<1024x128xf32>
    %add3A_923 = arith.constant 1.292800e+04 : f32
    %add3A_924 = vector.broadcast %add3A_923 : f32 to vector<1x128xf32>
    %add3A_925 = arith.addf %get3A_21, %add3A_924 : vector<1x128xf32>
    %broadcast_in_dim3A_926 = vector.shape_cast %add3A_925 : vector<1x128xf32> to vector<1x128xf32>
    %broadcast_in_dim3A_927 = vector.broadcast %broadcast_in_dim3A_926 : vector<1x128xf32> to vector<1024x128xf32>
    %select_n3A_928 = arith.select %gt3A_921, %broadcast_in_dim3A_927, %select_n3A_919 : vector<1024x128xi1>, vector<1024x128xf32>
    %slice3A_929 = vector.extract_strided_slice %dot_general3A_18 {offsets = [0, 13056], sizes = [1024, 128], strides = [1, 1]} : vector<1024x16384xf32> to vector<1024x128xf32>
    %gt3A_930 = arith.cmpf ogt, %slice3A_929, %max3A_922 : vector<1024x128xf32>
    %max3A_931 = arith.maximumf %slice3A_929, %max3A_922 : vector<1024x128xf32>
    %add3A_932 = arith.constant 1.305600e+04 : f32
    %add3A_933 = vector.broadcast %add3A_932 : f32 to vector<1x128xf32>
    %add3A_934 = arith.addf %get3A_21, %add3A_933 : vector<1x128xf32>
    %broadcast_in_dim3A_935 = vector.shape_cast %add3A_934 : vector<1x128xf32> to vector<1x128xf32>
    %broadcast_in_dim3A_936 = vector.broadcast %broadcast_in_dim3A_935 : vector<1x128xf32> to vector<1024x128xf32>
    %select_n3A_937 = arith.select %gt3A_930, %broadcast_in_dim3A_936, %select_n3A_928 : vector<1024x128xi1>, vector<1024x128xf32>
    %slice3A_938 = vector.extract_strided_slice %dot_general3A_18 {offsets = [0, 13184], sizes = [1024, 128], strides = [1, 1]} : vector<1024x16384xf32> to vector<1024x128xf32>
    %gt3A_939 = arith.cmpf ogt, %slice3A_938, %max3A_931 : vector<1024x128xf32>
    %max3A_940 = arith.maximumf %slice3A_938, %max3A_931 : vector<1024x128xf32>
    %add3A_941 = arith.constant 1.318400e+04 : f32
    %add3A_942 = vector.broadcast %add3A_941 : f32 to vector<1x128xf32>
    %add3A_943 = arith.addf %get3A_21, %add3A_942 : vector<1x128xf32>
    %broadcast_in_dim3A_944 = vector.shape_cast %add3A_943 : vector<1x128xf32> to vector<1x128xf32>
    %broadcast_in_dim3A_945 = vector.broadcast %broadcast_in_dim3A_944 : vector<1x128xf32> to vector<1024x128xf32>
    %select_n3A_946 = arith.select %gt3A_939, %broadcast_in_dim3A_945, %select_n3A_937 : vector<1024x128xi1>, vector<1024x128xf32>
    %slice3A_947 = vector.extract_strided_slice %dot_general3A_18 {offsets = [0, 13312], sizes = [1024, 128], strides = [1, 1]} : vector<1024x16384xf32> to vector<1024x128xf32>
    %gt3A_948 = arith.cmpf ogt, %slice3A_947, %max3A_940 : vector<1024x128xf32>
    %max3A_949 = arith.maximumf %slice3A_947, %max3A_940 : vector<1024x128xf32>
    %add3A_950 = arith.constant 1.331200e+04 : f32
    %add3A_951 = vector.broadcast %add3A_950 : f32 to vector<1x128xf32>
    %add3A_952 = arith.addf %get3A_21, %add3A_951 : vector<1x128xf32>
    %broadcast_in_dim3A_953 = vector.shape_cast %add3A_952 : vector<1x128xf32> to vector<1x128xf32>
    %broadcast_in_dim3A_954 = vector.broadcast %broadcast_in_dim3A_953 : vector<1x128xf32> to vector<1024x128xf32>
    %select_n3A_955 = arith.select %gt3A_948, %broadcast_in_dim3A_954, %select_n3A_946 : vector<1024x128xi1>, vector<1024x128xf32>
    %slice3A_956 = vector.extract_strided_slice %dot_general3A_18 {offsets = [0, 13440], sizes = [1024, 128], strides = [1, 1]} : vector<1024x16384xf32> to vector<1024x128xf32>
    %gt3A_957 = arith.cmpf ogt, %slice3A_956, %max3A_949 : vector<1024x128xf32>
    %max3A_958 = arith.maximumf %slice3A_956, %max3A_949 : vector<1024x128xf32>
    %add3A_959 = arith.constant 1.344000e+04 : f32
    %add3A_960 = vector.broadcast %add3A_959 : f32 to vector<1x128xf32>
    %add3A_961 = arith.addf %get3A_21, %add3A_960 : vector<1x128xf32>
    %broadcast_in_dim3A_962 = vector.shape_cast %add3A_961 : vector<1x128xf32> to vector<1x128xf32>
    %broadcast_in_dim3A_963 = vector.broadcast %broadcast_in_dim3A_962 : vector<1x128xf32> to vector<1024x128xf32>
    %select_n3A_964 = arith.select %gt3A_957, %broadcast_in_dim3A_963, %select_n3A_955 : vector<1024x128xi1>, vector<1024x128xf32>
    %slice3A_965 = vector.extract_strided_slice %dot_general3A_18 {offsets = [0, 13568], sizes = [1024, 128], strides = [1, 1]} : vector<1024x16384xf32> to vector<1024x128xf32>
    %gt3A_966 = arith.cmpf ogt, %slice3A_965, %max3A_958 : vector<1024x128xf32>
    %max3A_967 = arith.maximumf %slice3A_965, %max3A_958 : vector<1024x128xf32>
    %add3A_968 = arith.constant 1.356800e+04 : f32
    %add3A_969 = vector.broadcast %add3A_968 : f32 to vector<1x128xf32>
    %add3A_970 = arith.addf %get3A_21, %add3A_969 : vector<1x128xf32>
    %broadcast_in_dim3A_971 = vector.shape_cast %add3A_970 : vector<1x128xf32> to vector<1x128xf32>
    %broadcast_in_dim3A_972 = vector.broadcast %broadcast_in_dim3A_971 : vector<1x128xf32> to vector<1024x128xf32>
    %select_n3A_973 = arith.select %gt3A_966, %broadcast_in_dim3A_972, %select_n3A_964 : vector<1024x128xi1>, vector<1024x128xf32>
    %slice3A_974 = vector.extract_strided_slice %dot_general3A_18 {offsets = [0, 13696], sizes = [1024, 128], strides = [1, 1]} : vector<1024x16384xf32> to vector<1024x128xf32>
    %gt3A_975 = arith.cmpf ogt, %slice3A_974, %max3A_967 : vector<1024x128xf32>
    %max3A_976 = arith.maximumf %slice3A_974, %max3A_967 : vector<1024x128xf32>
    %add3A_977 = arith.constant 1.369600e+04 : f32
    %add3A_978 = vector.broadcast %add3A_977 : f32 to vector<1x128xf32>
    %add3A_979 = arith.addf %get3A_21, %add3A_978 : vector<1x128xf32>
    %broadcast_in_dim3A_980 = vector.shape_cast %add3A_979 : vector<1x128xf32> to vector<1x128xf32>
    %broadcast_in_dim3A_981 = vector.broadcast %broadcast_in_dim3A_980 : vector<1x128xf32> to vector<1024x128xf32>
    %select_n3A_982 = arith.select %gt3A_975, %broadcast_in_dim3A_981, %select_n3A_973 : vector<1024x128xi1>, vector<1024x128xf32>
    %slice3A_983 = vector.extract_strided_slice %dot_general3A_18 {offsets = [0, 13824], sizes = [1024, 128], strides = [1, 1]} : vector<1024x16384xf32> to vector<1024x128xf32>
    %gt3A_984 = arith.cmpf ogt, %slice3A_983, %max3A_976 : vector<1024x128xf32>
    %max3A_985 = arith.maximumf %slice3A_983, %max3A_976 : vector<1024x128xf32>
    %add3A_986 = arith.constant 1.382400e+04 : f32
    %add3A_987 = vector.broadcast %add3A_986 : f32 to vector<1x128xf32>
    %add3A_988 = arith.addf %get3A_21, %add3A_987 : vector<1x128xf32>
    %broadcast_in_dim3A_989 = vector.shape_cast %add3A_988 : vector<1x128xf32> to vector<1x128xf32>
    %broadcast_in_dim3A_990 = vector.broadcast %broadcast_in_dim3A_989 : vector<1x128xf32> to vector<1024x128xf32>
    %select_n3A_991 = arith.select %gt3A_984, %broadcast_in_dim3A_990, %select_n3A_982 : vector<1024x128xi1>, vector<1024x128xf32>
    %slice3A_992 = vector.extract_strided_slice %dot_general3A_18 {offsets = [0, 13952], sizes = [1024, 128], strides = [1, 1]} : vector<1024x16384xf32> to vector<1024x128xf32>
    %gt3A_993 = arith.cmpf ogt, %slice3A_992, %max3A_985 : vector<1024x128xf32>
    %max3A_994 = arith.maximumf %slice3A_992, %max3A_985 : vector<1024x128xf32>
    %add3A_995 = arith.constant 1.395200e+04 : f32
    %add3A_996 = vector.broadcast %add3A_995 : f32 to vector<1x128xf32>
    %add3A_997 = arith.addf %get3A_21, %add3A_996 : vector<1x128xf32>
    %broadcast_in_dim3A_998 = vector.shape_cast %add3A_997 : vector<1x128xf32> to vector<1x128xf32>
    %broadcast_in_dim3A_999 = vector.broadcast %broadcast_in_dim3A_998 : vector<1x128xf32> to vector<1024x128xf32>
    %select_n3A_1000 = arith.select %gt3A_993, %broadcast_in_dim3A_999, %select_n3A_991 : vector<1024x128xi1>, vector<1024x128xf32>
    %slice3A_1001 = vector.extract_strided_slice %dot_general3A_18 {offsets = [0, 14080], sizes = [1024, 128], strides = [1, 1]} : vector<1024x16384xf32> to vector<1024x128xf32>
    %gt3A_1002 = arith.cmpf ogt, %slice3A_1001, %max3A_994 : vector<1024x128xf32>
    %max3A_1003 = arith.maximumf %slice3A_1001, %max3A_994 : vector<1024x128xf32>
    %add3A_1004 = arith.constant 1.408000e+04 : f32
    %add3A_1005 = vector.broadcast %add3A_1004 : f32 to vector<1x128xf32>
    %add3A_1006 = arith.addf %get3A_21, %add3A_1005 : vector<1x128xf32>
    %broadcast_in_dim3A_1007 = vector.shape_cast %add3A_1006 : vector<1x128xf32> to vector<1x128xf32>
    %broadcast_in_dim3A_1008 = vector.broadcast %broadcast_in_dim3A_1007 : vector<1x128xf32> to vector<1024x128xf32>
    %select_n3A_1009 = arith.select %gt3A_1002, %broadcast_in_dim3A_1008, %select_n3A_1000 : vector<1024x128xi1>, vector<1024x128xf32>
    %slice3A_1010 = vector.extract_strided_slice %dot_general3A_18 {offsets = [0, 14208], sizes = [1024, 128], strides = [1, 1]} : vector<1024x16384xf32> to vector<1024x128xf32>
    %gt3A_1011 = arith.cmpf ogt, %slice3A_1010, %max3A_1003 : vector<1024x128xf32>
    %max3A_1012 = arith.maximumf %slice3A_1010, %max3A_1003 : vector<1024x128xf32>
    %add3A_1013 = arith.constant 1.420800e+04 : f32
    %add3A_1014 = vector.broadcast %add3A_1013 : f32 to vector<1x128xf32>
    %add3A_1015 = arith.addf %get3A_21, %add3A_1014 : vector<1x128xf32>
    %broadcast_in_dim3A_1016 = vector.shape_cast %add3A_1015 : vector<1x128xf32> to vector<1x128xf32>
    %broadcast_in_dim3A_1017 = vector.broadcast %broadcast_in_dim3A_1016 : vector<1x128xf32> to vector<1024x128xf32>
    %select_n3A_1018 = arith.select %gt3A_1011, %broadcast_in_dim3A_1017, %select_n3A_1009 : vector<1024x128xi1>, vector<1024x128xf32>
    %slice3A_1019 = vector.extract_strided_slice %dot_general3A_18 {offsets = [0, 14336], sizes = [1024, 128], strides = [1, 1]} : vector<1024x16384xf32> to vector<1024x128xf32>
    %gt3A_1020 = arith.cmpf ogt, %slice3A_1019, %max3A_1012 : vector<1024x128xf32>
    %max3A_1021 = arith.maximumf %slice3A_1019, %max3A_1012 : vector<1024x128xf32>
    %add3A_1022 = arith.constant 1.433600e+04 : f32
    %add3A_1023 = vector.broadcast %add3A_1022 : f32 to vector<1x128xf32>
    %add3A_1024 = arith.addf %get3A_21, %add3A_1023 : vector<1x128xf32>
    %broadcast_in_dim3A_1025 = vector.shape_cast %add3A_1024 : vector<1x128xf32> to vector<1x128xf32>
    %broadcast_in_dim3A_1026 = vector.broadcast %broadcast_in_dim3A_1025 : vector<1x128xf32> to vector<1024x128xf32>
    %select_n3A_1027 = arith.select %gt3A_1020, %broadcast_in_dim3A_1026, %select_n3A_1018 : vector<1024x128xi1>, vector<1024x128xf32>
    %slice3A_1028 = vector.extract_strided_slice %dot_general3A_18 {offsets = [0, 14464], sizes = [1024, 128], strides = [1, 1]} : vector<1024x16384xf32> to vector<1024x128xf32>
    %gt3A_1029 = arith.cmpf ogt, %slice3A_1028, %max3A_1021 : vector<1024x128xf32>
    %max3A_1030 = arith.maximumf %slice3A_1028, %max3A_1021 : vector<1024x128xf32>
    %add3A_1031 = arith.constant 1.446400e+04 : f32
    %add3A_1032 = vector.broadcast %add3A_1031 : f32 to vector<1x128xf32>
    %add3A_1033 = arith.addf %get3A_21, %add3A_1032 : vector<1x128xf32>
    %broadcast_in_dim3A_1034 = vector.shape_cast %add3A_1033 : vector<1x128xf32> to vector<1x128xf32>
    %broadcast_in_dim3A_1035 = vector.broadcast %broadcast_in_dim3A_1034 : vector<1x128xf32> to vector<1024x128xf32>
    %select_n3A_1036 = arith.select %gt3A_1029, %broadcast_in_dim3A_1035, %select_n3A_1027 : vector<1024x128xi1>, vector<1024x128xf32>
    %slice3A_1037 = vector.extract_strided_slice %dot_general3A_18 {offsets = [0, 14592], sizes = [1024, 128], strides = [1, 1]} : vector<1024x16384xf32> to vector<1024x128xf32>
    %gt3A_1038 = arith.cmpf ogt, %slice3A_1037, %max3A_1030 : vector<1024x128xf32>
    %max3A_1039 = arith.maximumf %slice3A_1037, %max3A_1030 : vector<1024x128xf32>
    %add3A_1040 = arith.constant 1.459200e+04 : f32
    %add3A_1041 = vector.broadcast %add3A_1040 : f32 to vector<1x128xf32>
    %add3A_1042 = arith.addf %get3A_21, %add3A_1041 : vector<1x128xf32>
    %broadcast_in_dim3A_1043 = vector.shape_cast %add3A_1042 : vector<1x128xf32> to vector<1x128xf32>
    %broadcast_in_dim3A_1044 = vector.broadcast %broadcast_in_dim3A_1043 : vector<1x128xf32> to vector<1024x128xf32>
    %select_n3A_1045 = arith.select %gt3A_1038, %broadcast_in_dim3A_1044, %select_n3A_1036 : vector<1024x128xi1>, vector<1024x128xf32>
    %slice3A_1046 = vector.extract_strided_slice %dot_general3A_18 {offsets = [0, 14720], sizes = [1024, 128], strides = [1, 1]} : vector<1024x16384xf32> to vector<1024x128xf32>
    %gt3A_1047 = arith.cmpf ogt, %slice3A_1046, %max3A_1039 : vector<1024x128xf32>
    %max3A_1048 = arith.maximumf %slice3A_1046, %max3A_1039 : vector<1024x128xf32>
    %add3A_1049 = arith.constant 1.472000e+04 : f32
    %add3A_1050 = vector.broadcast %add3A_1049 : f32 to vector<1x128xf32>
    %add3A_1051 = arith.addf %get3A_21, %add3A_1050 : vector<1x128xf32>
    %broadcast_in_dim3A_1052 = vector.shape_cast %add3A_1051 : vector<1x128xf32> to vector<1x128xf32>
    %broadcast_in_dim3A_1053 = vector.broadcast %broadcast_in_dim3A_1052 : vector<1x128xf32> to vector<1024x128xf32>
    %select_n3A_1054 = arith.select %gt3A_1047, %broadcast_in_dim3A_1053, %select_n3A_1045 : vector<1024x128xi1>, vector<1024x128xf32>
    %slice3A_1055 = vector.extract_strided_slice %dot_general3A_18 {offsets = [0, 14848], sizes = [1024, 128], strides = [1, 1]} : vector<1024x16384xf32> to vector<1024x128xf32>
    %gt3A_1056 = arith.cmpf ogt, %slice3A_1055, %max3A_1048 : vector<1024x128xf32>
    %max3A_1057 = arith.maximumf %slice3A_1055, %max3A_1048 : vector<1024x128xf32>
    %add3A_1058 = arith.constant 1.484800e+04 : f32
    %add3A_1059 = vector.broadcast %add3A_1058 : f32 to vector<1x128xf32>
    %add3A_1060 = arith.addf %get3A_21, %add3A_1059 : vector<1x128xf32>
    %broadcast_in_dim3A_1061 = vector.shape_cast %add3A_1060 : vector<1x128xf32> to vector<1x128xf32>
    %broadcast_in_dim3A_1062 = vector.broadcast %broadcast_in_dim3A_1061 : vector<1x128xf32> to vector<1024x128xf32>
    %select_n3A_1063 = arith.select %gt3A_1056, %broadcast_in_dim3A_1062, %select_n3A_1054 : vector<1024x128xi1>, vector<1024x128xf32>
    %slice3A_1064 = vector.extract_strided_slice %dot_general3A_18 {offsets = [0, 14976], sizes = [1024, 128], strides = [1, 1]} : vector<1024x16384xf32> to vector<1024x128xf32>
    %gt3A_1065 = arith.cmpf ogt, %slice3A_1064, %max3A_1057 : vector<1024x128xf32>
    %max3A_1066 = arith.maximumf %slice3A_1064, %max3A_1057 : vector<1024x128xf32>
    %add3A_1067 = arith.constant 1.497600e+04 : f32
    %add3A_1068 = vector.broadcast %add3A_1067 : f32 to vector<1x128xf32>
    %add3A_1069 = arith.addf %get3A_21, %add3A_1068 : vector<1x128xf32>
    %broadcast_in_dim3A_1070 = vector.shape_cast %add3A_1069 : vector<1x128xf32> to vector<1x128xf32>
    %broadcast_in_dim3A_1071 = vector.broadcast %broadcast_in_dim3A_1070 : vector<1x128xf32> to vector<1024x128xf32>
    %select_n3A_1072 = arith.select %gt3A_1065, %broadcast_in_dim3A_1071, %select_n3A_1063 : vector<1024x128xi1>, vector<1024x128xf32>
    %slice3A_1073 = vector.extract_strided_slice %dot_general3A_18 {offsets = [0, 15104], sizes = [1024, 128], strides = [1, 1]} : vector<1024x16384xf32> to vector<1024x128xf32>
    %gt3A_1074 = arith.cmpf ogt, %slice3A_1073, %max3A_1066 : vector<1024x128xf32>
    %max3A_1075 = arith.maximumf %slice3A_1073, %max3A_1066 : vector<1024x128xf32>
    %add3A_1076 = arith.constant 1.510400e+04 : f32
    %add3A_1077 = vector.broadcast %add3A_1076 : f32 to vector<1x128xf32>
    %add3A_1078 = arith.addf %get3A_21, %add3A_1077 : vector<1x128xf32>
    %broadcast_in_dim3A_1079 = vector.shape_cast %add3A_1078 : vector<1x128xf32> to vector<1x128xf32>
    %broadcast_in_dim3A_1080 = vector.broadcast %broadcast_in_dim3A_1079 : vector<1x128xf32> to vector<1024x128xf32>
    %select_n3A_1081 = arith.select %gt3A_1074, %broadcast_in_dim3A_1080, %select_n3A_1072 : vector<1024x128xi1>, vector<1024x128xf32>
    %slice3A_1082 = vector.extract_strided_slice %dot_general3A_18 {offsets = [0, 15232], sizes = [1024, 128], strides = [1, 1]} : vector<1024x16384xf32> to vector<1024x128xf32>
    %gt3A_1083 = arith.cmpf ogt, %slice3A_1082, %max3A_1075 : vector<1024x128xf32>
    %max3A_1084 = arith.maximumf %slice3A_1082, %max3A_1075 : vector<1024x128xf32>
    %add3A_1085 = arith.constant 1.523200e+04 : f32
    %add3A_1086 = vector.broadcast %add3A_1085 : f32 to vector<1x128xf32>
    %add3A_1087 = arith.addf %get3A_21, %add3A_1086 : vector<1x128xf32>
    %broadcast_in_dim3A_1088 = vector.shape_cast %add3A_1087 : vector<1x128xf32> to vector<1x128xf32>
    %broadcast_in_dim3A_1089 = vector.broadcast %broadcast_in_dim3A_1088 : vector<1x128xf32> to vector<1024x128xf32>
    %select_n3A_1090 = arith.select %gt3A_1083, %broadcast_in_dim3A_1089, %select_n3A_1081 : vector<1024x128xi1>, vector<1024x128xf32>
    %slice3A_1091 = vector.extract_strided_slice %dot_general3A_18 {offsets = [0, 15360], sizes = [1024, 128], strides = [1, 1]} : vector<1024x16384xf32> to vector<1024x128xf32>
    %gt3A_1092 = arith.cmpf ogt, %slice3A_1091, %max3A_1084 : vector<1024x128xf32>
    %max3A_1093 = arith.maximumf %slice3A_1091, %max3A_1084 : vector<1024x128xf32>
    %add3A_1094 = arith.constant 1.536000e+04 : f32
    %add3A_1095 = vector.broadcast %add3A_1094 : f32 to vector<1x128xf32>
    %add3A_1096 = arith.addf %get3A_21, %add3A_1095 : vector<1x128xf32>
    %broadcast_in_dim3A_1097 = vector.shape_cast %add3A_1096 : vector<1x128xf32> to vector<1x128xf32>
    %broadcast_in_dim3A_1098 = vector.broadcast %broadcast_in_dim3A_1097 : vector<1x128xf32> to vector<1024x128xf32>
    %select_n3A_1099 = arith.select %gt3A_1092, %broadcast_in_dim3A_1098, %select_n3A_1090 : vector<1024x128xi1>, vector<1024x128xf32>
    %slice3A_1100 = vector.extract_strided_slice %dot_general3A_18 {offsets = [0, 15488], sizes = [1024, 128], strides = [1, 1]} : vector<1024x16384xf32> to vector<1024x128xf32>
    %gt3A_1101 = arith.cmpf ogt, %slice3A_1100, %max3A_1093 : vector<1024x128xf32>
    %max3A_1102 = arith.maximumf %slice3A_1100, %max3A_1093 : vector<1024x128xf32>
    %add3A_1103 = arith.constant 1.548800e+04 : f32
    %add3A_1104 = vector.broadcast %add3A_1103 : f32 to vector<1x128xf32>
    %add3A_1105 = arith.addf %get3A_21, %add3A_1104 : vector<1x128xf32>
    %broadcast_in_dim3A_1106 = vector.shape_cast %add3A_1105 : vector<1x128xf32> to vector<1x128xf32>
    %broadcast_in_dim3A_1107 = vector.broadcast %broadcast_in_dim3A_1106 : vector<1x128xf32> to vector<1024x128xf32>
    %select_n3A_1108 = arith.select %gt3A_1101, %broadcast_in_dim3A_1107, %select_n3A_1099 : vector<1024x128xi1>, vector<1024x128xf32>
    %slice3A_1109 = vector.extract_strided_slice %dot_general3A_18 {offsets = [0, 15616], sizes = [1024, 128], strides = [1, 1]} : vector<1024x16384xf32> to vector<1024x128xf32>
    %gt3A_1110 = arith.cmpf ogt, %slice3A_1109, %max3A_1102 : vector<1024x128xf32>
    %max3A_1111 = arith.maximumf %slice3A_1109, %max3A_1102 : vector<1024x128xf32>
    %add3A_1112 = arith.constant 1.561600e+04 : f32
    %add3A_1113 = vector.broadcast %add3A_1112 : f32 to vector<1x128xf32>
    %add3A_1114 = arith.addf %get3A_21, %add3A_1113 : vector<1x128xf32>
    %broadcast_in_dim3A_1115 = vector.shape_cast %add3A_1114 : vector<1x128xf32> to vector<1x128xf32>
    %broadcast_in_dim3A_1116 = vector.broadcast %broadcast_in_dim3A_1115 : vector<1x128xf32> to vector<1024x128xf32>
    %select_n3A_1117 = arith.select %gt3A_1110, %broadcast_in_dim3A_1116, %select_n3A_1108 : vector<1024x128xi1>, vector<1024x128xf32>
    %slice3A_1118 = vector.extract_strided_slice %dot_general3A_18 {offsets = [0, 15744], sizes = [1024, 128], strides = [1, 1]} : vector<1024x16384xf32> to vector<1024x128xf32>
    %gt3A_1119 = arith.cmpf ogt, %slice3A_1118, %max3A_1111 : vector<1024x128xf32>
    %max3A_1120 = arith.maximumf %slice3A_1118, %max3A_1111 : vector<1024x128xf32>
    %add3A_1121 = arith.constant 1.574400e+04 : f32
    %add3A_1122 = vector.broadcast %add3A_1121 : f32 to vector<1x128xf32>
    %add3A_1123 = arith.addf %get3A_21, %add3A_1122 : vector<1x128xf32>
    %broadcast_in_dim3A_1124 = vector.shape_cast %add3A_1123 : vector<1x128xf32> to vector<1x128xf32>
    %broadcast_in_dim3A_1125 = vector.broadcast %broadcast_in_dim3A_1124 : vector<1x128xf32> to vector<1024x128xf32>
    %select_n3A_1126 = arith.select %gt3A_1119, %broadcast_in_dim3A_1125, %select_n3A_1117 : vector<1024x128xi1>, vector<1024x128xf32>
    %slice3A_1127 = vector.extract_strided_slice %dot_general3A_18 {offsets = [0, 15872], sizes = [1024, 128], strides = [1, 1]} : vector<1024x16384xf32> to vector<1024x128xf32>
    %gt3A_1128 = arith.cmpf ogt, %slice3A_1127, %max3A_1120 : vector<1024x128xf32>
    %max3A_1129 = arith.maximumf %slice3A_1127, %max3A_1120 : vector<1024x128xf32>
    %add3A_1130 = arith.constant 1.587200e+04 : f32
    %add3A_1131 = vector.broadcast %add3A_1130 : f32 to vector<1x128xf32>
    %add3A_1132 = arith.addf %get3A_21, %add3A_1131 : vector<1x128xf32>
    %broadcast_in_dim3A_1133 = vector.shape_cast %add3A_1132 : vector<1x128xf32> to vector<1x128xf32>
    %broadcast_in_dim3A_1134 = vector.broadcast %broadcast_in_dim3A_1133 : vector<1x128xf32> to vector<1024x128xf32>
    %select_n3A_1135 = arith.select %gt3A_1128, %broadcast_in_dim3A_1134, %select_n3A_1126 : vector<1024x128xi1>, vector<1024x128xf32>
    %slice3A_1136 = vector.extract_strided_slice %dot_general3A_18 {offsets = [0, 16000], sizes = [1024, 128], strides = [1, 1]} : vector<1024x16384xf32> to vector<1024x128xf32>
    %gt3A_1137 = arith.cmpf ogt, %slice3A_1136, %max3A_1129 : vector<1024x128xf32>
    %max3A_1138 = arith.maximumf %slice3A_1136, %max3A_1129 : vector<1024x128xf32>
    %add3A_1139 = arith.constant 1.600000e+04 : f32
    %add3A_1140 = vector.broadcast %add3A_1139 : f32 to vector<1x128xf32>
    %add3A_1141 = arith.addf %get3A_21, %add3A_1140 : vector<1x128xf32>
    %broadcast_in_dim3A_1142 = vector.shape_cast %add3A_1141 : vector<1x128xf32> to vector<1x128xf32>
    %broadcast_in_dim3A_1143 = vector.broadcast %broadcast_in_dim3A_1142 : vector<1x128xf32> to vector<1024x128xf32>
    %select_n3A_1144 = arith.select %gt3A_1137, %broadcast_in_dim3A_1143, %select_n3A_1135 : vector<1024x128xi1>, vector<1024x128xf32>
    %slice3A_1145 = vector.extract_strided_slice %dot_general3A_18 {offsets = [0, 16128], sizes = [1024, 128], strides = [1, 1]} : vector<1024x16384xf32> to vector<1024x128xf32>
    %gt3A_1146 = arith.cmpf ogt, %slice3A_1145, %max3A_1138 : vector<1024x128xf32>
    %max3A_1147 = arith.maximumf %slice3A_1145, %max3A_1138 : vector<1024x128xf32>
    %add3A_1148 = arith.constant 1.612800e+04 : f32
    %add3A_1149 = vector.broadcast %add3A_1148 : f32 to vector<1x128xf32>
    %add3A_1150 = arith.addf %get3A_21, %add3A_1149 : vector<1x128xf32>
    %broadcast_in_dim3A_1151 = vector.shape_cast %add3A_1150 : vector<1x128xf32> to vector<1x128xf32>
    %broadcast_in_dim3A_1152 = vector.broadcast %broadcast_in_dim3A_1151 : vector<1x128xf32> to vector<1024x128xf32>
    %select_n3A_1153 = arith.select %gt3A_1146, %broadcast_in_dim3A_1152, %select_n3A_1144 : vector<1024x128xi1>, vector<1024x128xf32>
    %slice3A_1154 = vector.extract_strided_slice %dot_general3A_18 {offsets = [0, 16256], sizes = [1024, 128], strides = [1, 1]} : vector<1024x16384xf32> to vector<1024x128xf32>
    %gt3A_1155 = arith.cmpf ogt, %slice3A_1154, %max3A_1147 : vector<1024x128xf32>
    %max3A_1156 = arith.maximumf %slice3A_1154, %max3A_1147 : vector<1024x128xf32>
    %add3A_1157 = arith.constant 1.625600e+04 : f32
    %add3A_1158 = vector.broadcast %add3A_1157 : f32 to vector<1x128xf32>
    %add3A_1159 = arith.addf %get3A_21, %add3A_1158 : vector<1x128xf32>
    %broadcast_in_dim3A_1160 = vector.shape_cast %add3A_1159 : vector<1x128xf32> to vector<1x128xf32>
    %broadcast_in_dim3A_1161 = vector.broadcast %broadcast_in_dim3A_1160 : vector<1x128xf32> to vector<1024x128xf32>
    %select_n3A_1162 = arith.select %gt3A_1155, %broadcast_in_dim3A_1161, %select_n3A_1153 : vector<1024x128xi1>, vector<1024x128xf32>
    %reduce_max3A = arith.constant dense<0xFF800000> : vector<1024xf32>
    %reduce_max3A_1163 = vector.multi_reduction <maximumf>, %max3A_1156, %reduce_max3A [1] : vector<1024x128xf32> to vector<1024xf32>
    %broadcast_in_dim3A_1164 = vector.shape_cast %reduce_max3A_1163 : vector<1024xf32> to vector<1024x1xf32>
    %eq3A_1165 = vector.broadcast %broadcast_in_dim3A_1164 : vector<1024x1xf32> to vector<1024x128xf32>
    %eq3A_1166 = arith.cmpf oeq, %max3A_1156, %eq3A_1165 : vector<1024x128xf32>
    %jit3A = arith.constant 0x7F800000 : f32
    %broadcast_in_dim3A_1167 = vector.broadcast %jit3A : f32 to vector<1024x128xf32>
    %select_n3A_1168 = arith.select %eq3A_1166, %select_n3A_1162, %broadcast_in_dim3A_1167 : vector<1024x128xi1>, vector<1024x128xf32>
    %reduce_min3A = arith.constant dense<0x7F800000> : vector<1024xf32>
    %reduce_min3A_1169 = vector.multi_reduction <minimumf>, %select_n3A_1168, %reduce_min3A [1] : vector<1024x128xf32> to vector<1024xf32>
    %broadcast_in_dim3A_1170 = vector.shape_cast %reduce_min3A_1169 : vector<1024xf32> to vector<1024x1xf32>
    %convert_element_type3A_1171 = arith.sitofp %arg1 : i32 to f32
    %mul3A_1172 = arith.constant 1.638400e+04 : f32
    %mul3A_1173 = arith.mulf %mul3A_1172, %convert_element_type3A_1171 : f32
    %add3A_1174 = vector.broadcast %mul3A_1173 : f32 to vector<1024x1xf32>
    %add3A_1175 = arith.addf %broadcast_in_dim3A_1170, %add3A_1174 : vector<1024x1xf32>
    %mul3A_1176 = arith.constant 1024 : i32
    %mul3A_1177 = arith.muli %arg0, %mul3A_1176 : i32
    %jit3A_1178 = arith.constant 16384 : i32
    %div3A = arith.divsi %mul3A_1177, %jit3A_1178 : i32
    %sign3A = arith.constant 0 : i32
    %sign3A_1179 = arith.cmpi sgt, %mul3A_1177, %sign3A : i32
    %sign3A_1180 = arith.extui %sign3A_1179 : i1 to i32
    %sign3A_1181 = arith.constant 0 : i32
    %sign3A_1182 = arith.cmpi slt, %mul3A_1177, %sign3A_1181 : i32
    %sign3A_1183 = arith.extui %sign3A_1182 : i1 to i32
    %sign3A_1184 = arith.subi %sign3A_1180, %sign3A_1183 : i32
    %sign3A_1185 = arith.constant 0 : i32
    %sign3A_1186 = arith.cmpi sgt, %jit3A_1178, %sign3A_1185 : i32
    %sign3A_1187 = arith.extui %sign3A_1186 : i1 to i32
    %sign3A_1188 = arith.constant 0 : i32
    %sign3A_1189 = arith.cmpi slt, %jit3A_1178, %sign3A_1188 : i32
    %sign3A_1190 = arith.extui %sign3A_1189 : i1 to i32
    %sign3A_1191 = arith.subi %sign3A_1187, %sign3A_1190 : i32
    %ne3A = arith.cmpi ne, %sign3A_1184, %sign3A_1191 : i32
    %rem3A = arith.remsi %mul3A_1177, %jit3A_1178 : i32
    %ne3A_1192 = arith.constant 0 : i32
    %ne3A_1193 = arith.cmpi ne, %rem3A, %ne3A_1192 : i32
    %and3A_1194 = arith.andi %ne3A, %ne3A_1193 : i1
    %sub3A = arith.constant 1 : i32
    %sub3A_1195 = arith.subi %div3A, %sub3A : i32
    %select_n3A_1196 = arith.select %and3A_1194, %sub3A_1195, %div3A : i32
    %eq3A_1197 = arith.cmpi eq, %arg1, %select_n3A_1196 : i32
    %convert_element_type3A_1198 = arith.sitofp %arg0 : i32 to f32
    %mul3A_1199 = arith.constant 1.024000e+03 : f32
    %mul3A_1200 = arith.mulf %mul3A_1199, %convert_element_type3A_1198 : f32
    %iota3A = tpu.iota {dimensions = array<i32: 0>} : vector<1024x1xi32>
    %convert_element_type3A_1201 = arith.sitofp %iota3A : vector<1024x1xi32> to vector<1024x1xf32>
    %add3A_1202 = vector.broadcast %mul3A_1200 : f32 to vector<1024x1xf32>
    %add3A_1203 = arith.addf %add3A_1202, %convert_element_type3A_1201 : vector<1024x1xf32>
    %jit3A_1204 = arith.constant 0x7F800000 : f32
    %broadcast_in_dim3A_1205 = vector.broadcast %jit3A_1204 : f32 to vector<1024x1xf32>
    %select_n3A_1206 = arith.select %eq3A_1197, %broadcast_in_dim3A_1205, %broadcast_in_dim3A_1164 : vector<1024x1xf32>
    %select_n3A_1207 = arith.select %eq3A_1197, %add3A_1203, %add3A_1175 : vector<1024x1xf32>
    %get3A_1208 = arith.constant 0 : index
    %get3A_1209 = arith.constant 0 : index
    %get3A_1210 = vector.load %arg7[%get3A_1208, %get3A_1209] : memref<1024x1xf32, #tpu.memory_space<vmem>>, vector<1024x1xf32>
    %gt3A_1211 = arith.cmpf ogt, %select_n3A_1206, %get3A_1210 : vector<1024x1xf32>
    %get3A_1212 = arith.constant 0 : index
    %get3A_1213 = arith.constant 0 : index
    %get3A_1214 = vector.load %arg7[%get3A_1212, %get3A_1213] : memref<1024x1xf32, #tpu.memory_space<vmem>>, vector<1024x1xf32>
    %select_n3A_1215 = arith.select %gt3A_1211, %select_n3A_1206, %get3A_1214 : vector<1024x1xi1>, vector<1024x1xf32>
    %swap3A = arith.constant 0 : index
    %swap3A_1216 = arith.constant 0 : index
    %swap3A_1217 = vector.load %arg7[%swap3A, %swap3A_1216] : memref<1024x1xf32, #tpu.memory_space<vmem>>, vector<1024x1xf32>
    tpu.vector_store %arg7[%swap3A, %swap3A_1216], %select_n3A_1215 {strides = array<i32>} : memref<1024x1xf32, #tpu.memory_space<vmem>>, vector<1024x1xf32>,
    %get3A_1218 = arith.constant 0 : index
    %get3A_1219 = arith.constant 0 : index
    %get3A_1220 = vector.load %arg8[%get3A_1218, %get3A_1219] : memref<1024x1xf32, #tpu.memory_space<vmem>>, vector<1024x1xf32>
    %select_n3A_1221 = arith.select %gt3A_1211, %select_n3A_1207, %get3A_1220 : vector<1024x1xi1>, vector<1024x1xf32>
    %swap3A_1222 = arith.constant 0 : index
    %swap3A_1223 = arith.constant 0 : index
    %swap3A_1224 = vector.load %arg8[%swap3A_1222, %swap3A_1223] : memref<1024x1xf32, #tpu.memory_space<vmem>>, vector<1024x1xf32>
    tpu.vector_store %arg8[%swap3A_1222, %swap3A_1223], %select_n3A_1221 {strides = array<i32>} : memref<1024x1xf32, #tpu.memory_space<vmem>>, vector<1024x1xf32>,
    %eq3A_1225 = arith.constant 0 : i32
    %eq3A_1226 = arith.cmpi eq, %arg1, %eq3A_1225 : i32
    %convert_element_type3A_1227 = arith.extui %eq3A_1226 : i1 to i32
    %cond3A_1228 = arith.constant 0 : i32
    %cond3A_1229 = arith.cmpi ne, %convert_element_type3A_1227, %cond3A_1228 : i32
    scf.if %cond3A_1229 {
      %get3A_1230 = arith.constant 0 : index
      %get3A_1231 = arith.constant 0 : index
      %get3A_1232 = vector.load %arg8[%get3A_1230, %get3A_1231] : memref<1024x1xf32, #tpu.memory_space<vmem>>, vector<1024x1xf32>
      %convert_element_type3A_1233 = arith.fptosi %get3A_1232 : vector<1024x1xf32> to vector<1024x1xi32>
      %swap3A_1234 = arith.constant 0 : index
      %swap3A_1235 = arith.constant 0 : index
      %swap3A_1236 = vector.load %arg5[%swap3A_1234, %swap3A_1235] : memref<1024x1xi32, #tpu.memory_space<vmem>>, vector<1024x1xi32>
      tpu.vector_store %arg5[%swap3A_1234, %swap3A_1235], %convert_element_type3A_1233 {strides = array<i32>} : memref<1024x1xi32, #tpu.memory_space<vmem>>, vector<1024x1xi32>,
    } else {
    }
    return
  }
  func.func @transform_0(%arg0: i32, %arg1: i32) -> (i32, i32) {
    %c0_i32 = arith.constant 0 : i32
    %c0_i32_0 = arith.constant 0 : i32
    return %arg0, %c0_i32 : i32, i32
  }
  func.func @transform_1(%arg0: i32, %arg1: i32) -> (i32, i32) {
    %c0_i32 = arith.constant 0 : i32
    %c0_i32_0 = arith.constant 0 : i32
    return %c0_i32, %arg1 : i32, i32
  }
  func.func @transform_2(%arg0: i32, %arg1: i32) -> (i32, i32) {
    %c0_i32 = arith.constant 0 : i32
    %c0_i32_0 = arith.constant 0 : i32
    %c0_i32_1 = arith.constant 0 : i32
    return %c0_i32, %c0_i32_0 : i32, i32
  }
  func.func @transform_3(%arg0: i32, %arg1: i32) -> (i32, i32) {
    %c0_i32 = arith.constant 0 : i32
    %c0_i32_0 = arith.constant 0 : i32
    return %arg0, %c0_i32 : i32, i32
  }
  func.func @transform_4(%arg0: i32, %arg1: i32) -> (i32, i32) {
    %c0_i32 = arith.constant 0 : i32
    %c0_i32_0 = arith.constant 0 : i32
    return %arg0, %c0_i32 : i32, i32
  }
}

</mosaic_0001>

<sc_bundles>
// kernel: kernel.5.cloned.1.call-start
scs
__scs_entry_jumppad:
0x0: {  	(pc) =	sbr.rel $0x88, $3  }
0x1: {  	(tag) =	ssettag $0x0;
	lr =	simm.s32 $0x1  }
0x2: {  	[smem:$0x3FA0] =	sst lr;
	_ =	strace $0xD0000000  }
0x3: {  	_ = 	snop  }
0x4: {  	_ = 	snop  }
0x5: {  	_ = 	snop  }
0x6: {  	_ = 	snop  }
0x7: {  	_ = 	snop  }
__scs_overlays_trampoline_lowered:
0x8: {  	[smem:$0x3FAF] =	sst s0  }
0x9: {  	[smem:$0x3FB0] =	sst s1  }
0xa: {  	[smem:$0x3FB1] =	sst s2  }
0xb: {  	[smem:$0x3FB2] =	sst s3  }
0xc: {  	[smem:$0x3FB3] =	sst s4  }
0xd: {  	[smem:$0x3FB4] =	sst s5  }
0xe: {  	[smem:$0x3FB5] =	sst s6  }
0xf: {  	[smem:$0x3FB6] =	sst s7  }
0x10: {  	[smem:$0x3FB7] =	sst s8  }
0x11: {  	[smem:$0x3FB8] =	sst s9;
	s0 =	simm.s32 @!p0 $0x0  }
0x12: {  	s1 =	sld [smem:$0x3F9E];
	s0 =	simm.s32 @p0 $0x1  }
0x13: {  	[smem:$0x3FB9] =	sst s0;
	s0 =	simm.s32 @!p1 $0x0  }
0x14: {  	s2 =	sld [smem:$0x3F9D];
	s0 =	simm.s32 @p1 $0x1  }
0x15: {  	[smem:$0x3FBA] =	sst s0;
	s0 =	simm.s32 @!p2 $0x0  }
0x16: {  	s3 =	sld [smem:$0x3FDB];
	s0 =	simm.s32 @p2 $0x1  }
0x17: {  	s4 =	simm.s32 $0x1BF5;
	[smem:$0x3FBC] =	sst s0  }
0x18: {  	s0 =	sld [smem:$0x3F9F];
	_ =	swait.ge [sflag:s4], $0x0  }
0x19: {  	s7 =	sld [smem:$0x3FA0]  }
0x1a: {  	s8 =	sadd.s32 $0xFFFFE003, lr  }
0x1b: {  	s9 =	sadd.s32 $0xFFFFFEF7, lr;
	s5 =	simm.s32 $0xFFFFFFFF;
	p2 =	slt.u32 s8, $0xFFFFF086  }
0x1c: {  	p1 =	slt.u32 s9, $0xF7A;
	s5 =	simm.s32 @!p2 $0x0  }
0x1d: {  	s5 =	simm.s32 @p1 $0x1;
	p0 =	seq.s32 s7, s2  }
0x1e: {  	s7 =	smul.u32 @!p0 $0xF7A, s2;
	p2 =	seq.s32 @!p0 s5, $0x0  }
0x1f: {  	s9 =	smul.u32 $0xF7A, s1;
	s8 =	simm.s32 @!p0 $0x1BF5;
	p2 =	por !p2, p0  }
0x20: {  	[sflag:s8] =	ssyncset.s32 @!p0 $0xFFFFF086;
	s6 =	sadd.s32 @!p0 s3, s7;
	s7 =	simm.s32 @!p0 $0x108  }
0x21: {  	s3 =	sadd.s32 s3, s9;
	s6 =	sadd.s32 @!p0 $0x88, s6;
	s7 =	simm.s32 @p2 $0x1082  }
0x22: {  	[simem:s7], [sflag:s8] =	dma.local @!p0 [hbm:s6], $0xF7A  }
0x23: {  	s9 =	sor.u32 $0xD0000000, s2;
	s6 =	simm.s32 $0x108;
	_ =	swait.ge @!p0 [sflag:s8], $0x0  }
0x24: {  	s3 =	sadd.s32 $0x88, s3;
	s6 =	simm.s32 @!p1 $0x1082;
	[sflag:s4] =	ssyncset.s32 $0xFFFFF086  }
0x25: {  	[simem:s6], [sflag:s4] =	dma.local [hbm:s3], $0xF7A  }
0x26: {  	[smem:$0x3FA0] =	sst s1;
	(tag) =	ssettag s2;
	_ =	strace s9  }
0x27: {  	s1 =	sld [smem:$0x3FB0]  }
0x28: {  	s2 =	sld [smem:$0x3FB1]  }
0x29: {  	s4 =	sld [smem:$0x3FB3]  }
0x2a: {  	p0 =	seq.s32 s5, $0x0;
	s5 =	sld [smem:$0x3FB4]  }
0x2b: {  	s6 =	sld [smem:$0x3FB5]  }
0x2c: {  	s7 =	sld [smem:$0x3FB6]  }
0x2d: {  	s3 =	simm.s32 $0x108;
	s8 =	sld [smem:$0x3FB7]  }
0x2e: {  	s3 =	simm.s32 @!p0 $0x1082;
	s9 =	sld [smem:$0x3FB8]  }
0x2f: {  	lr =	sadd.s32 s0, s3;
	s0 =	sld [smem:$0x3FAF]  }
0x30: {  	s3 =	sld [smem:$0x3FB2]  }
0x31: {  	[smem:$0x3FBB] =	sst s10  }
0x32: {  	s10 =	sld [smem:$0x3FB9];
	_ =	sdelay $0x3  }
0x33: {  	p0 =	seq.s32 s10, $0x1;
	s10 =	sld [smem:$0x3FBB];
	_ =	sdelay $0x3  }
0x34: {  	[smem:$0x3FBB] =	sst s10  }
0x35: {  	s10 =	sld [smem:$0x3FBA];
	_ =	sdelay $0x3  }
0x36: {  	p1 =	seq.s32 s10, $0x1;
	s10 =	sld [smem:$0x3FBB];
	_ =	sdelay $0x3  }
0x37: {  	[smem:$0x3FBB] =	sst s10  }
0x38: {  	s10 =	sld [smem:$0x3FBC]  }
0x39: {  	_ = 	snop;
	(pc) =	sbr.ind lr, $3  }
0x3a: {  	_ = 	snop  }
0x3b: {  	_ = 	snop  }
0x3c: {  	p2 =	seq.s32 s10, $0x1;
	s10 =	sld [smem:$0x3FBB]  }
0x3d: {  	_ =	shalt  }
0x3e: {  	_ =	shalt  }
0x3f: {  	_ =	shalt  }
0x40: {  	_ =	shalt  }
0x41: {  	_ =	shalt  }
0x42: {  	_ =	shalt  }
0x43: {  	_ =	shalt  }
0x44: {  	_ =	shalt  }
0x45: {  	_ =	shalt  }
0x46: {  	_ =	shalt  }
0x47: {  	_ =	shalt  }
0x48: {  	_ =	shalt  }
0x49: {  	_ =	shalt  }
0x4a: {  	_ =	shalt  }
0x4b: {  	_ =	shalt  }
0x4c: {  	_ =	shalt  }
0x4d: {  	_ =	shalt  }
0x4e: {  	_ =	shalt  }
0x4f: {  	_ =	shalt  }
0x50: {  	_ =	shalt  }
0x51: {  	_ =	shalt  }
0x52: {  	_ =	shalt  }
0x53: {  	_ =	shalt  }
0x54: {  	_ =	shalt  }
0x55: {  	_ =	shalt  }
0x56: {  	_ =	shalt  }
0x57: {  	_ =	shalt  }
0x58: {  	_ =	shalt  }
0x59: {  	_ =	shalt  }
0x5a: {  	_ =	shalt  }
0x5b: {  	_ =	shalt  }
0x5c: {  	_ =	shalt  }
0x5d: {  	_ =	shalt  }
0x5e: {  	_ =	shalt  }
0x5f: {  	_ =	shalt  }
0x60: {  	_ =	shalt  }
0x61: {  	_ =	shalt  }
0x62: {  	_ =	shalt  }
0x63: {  	_ =	shalt  }
0x64: {  	_ =	shalt  }
0x65: {  	_ =	shalt  }
0x66: {  	_ =	shalt  }
0x67: {  	_ =	shalt  }
0x68: {  	_ =	shalt  }
0x69: {  	_ =	shalt  }
0x6a: {  	_ =	shalt  }
0x6b: {  	_ =	shalt  }
0x6c: {  	_ =	shalt  }
0x6d: {  	_ =	shalt  }
0x6e: {  	_ =	shalt  }
0x6f: {  	_ =	shalt  }
0x70: {  	_ =	shalt  }
0x71: {  	_ =	shalt  }
0x72: {  	_ =	shalt  }
0x73: {  	_ =	shalt  }
0x74: {  	_ =	shalt  }
0x75: {  	_ =	shalt  }
0x76: {  	_ =	shalt  }
0x77: {  	_ =	shalt  }
0x78: {  	_ =	shalt  }
0x79: {  	_ =	shalt  }
0x7a: {  	_ =	shalt  }
0x7b: {  	_ =	shalt  }
0x7c: {  	_ =	shalt  }
0x7d: {  	_ =	shalt  }
0x7e: {  	_ =	shalt  }
0x7f: {  	_ =	shalt  }
0x80: {  	_ =	shalt  }
0x81: {  	_ =	shalt  }
0x82: {  	_ =	shalt  }
0x83: {  	_ =	shalt  }
0x84: {  	_ =	shalt  }
0x85: {  	_ =	shalt  }
0x86: {  	_ =	shalt  }
0x87: {  	_ =	shalt  }
.Lfunc_end0:
.L_simem_size_0:
called_computation_lowered:
.L_overlay_start_0:
0x88: {  	s2 =	sld [smem:$0x3FD9]  }
0x89: {  	s3 =	sld [smem:$0x3FFE];
	_ =	sdelay $0x1  }
0x8a: {  	s1 =	srdreg.scid  }
0x8b: {  	s0 =	sand.u32 $0x1, s1  }
0x8c: {  	s17 =	sshll.u32 s0, $0xA;
	s2 =	sadd.s32 s3, s2  }
0x8d: {  	s2 =	sadd.s32 s2, s17  }
0x8e: {  	[smem:$0x3FC7] =	sst s2  }
0x8f: {  	_ = 	snop  }
0x90: {  	s2 =	sld [smem:$0x3FD0];
	(tm) =	ssettm $0x1  }
0x91: {  	s18 =	sld [smem:$0x3FFB];
	_ =	sdelay $0x3  }
0x92: {  	_ =	strace s18  }
0x93: {  	s3 =	sld [smem:$0x3FFC];
	_ =	sdelay $0x3  }
0x94: {  	_ =	strace s3  }
0x95: {  	s3 =	sld [smem:$0x3FFD];
	_ =	sdelay $0x3  }
0x96: {  	_ =	strace s3  }
0x97: {  	_ =	strace $0x8FFFFFFF  }
0x98: {  	s19 =	sld [smem:$0x3FDB];
	_ =	sdelay $0x1  }
0x99: {  	s4 =	simm.s32 $_scs_section_size  }
0x9a: {  	s5 =	simm.s32 $_size__tile_overlayer_lowered;
	s6 =	simm.s32 $_tile_overlayer_lowered  }
0x9b: {  	s22 =	simm.s32 $0x1BFF;
	s21 =	sshll.u32 s6, $0x1;
	s3 =	sadd.s32 s4, s19  }
0x9c: {  	s7 =	simm.s32 $0x0;
	s20 =	sshll.u32 s5, $0x1;
	s5 =	sadd.s32 s21, s3  }
0x9d: {  	[timem:s7], [sflag:s22] =	dma.local [hbm:s5], s20  }
0x9e: {  	_ =	swait.ge [sflag:s22], s20  }
0x9f: {  	s4 =	ssub.s32 $0x0, s20;
	[sflag:s22] =	ssyncset.done $0x0  }
0xa0: {  	[sflag:s22] =	ssyncadd.s32 s4;
	_ =	sdelay $0x1  }
0xa1: {  	s23 =	simm.s32 $0x1B8B  }
0xa2: {  	_ =	swait.ge [sflag:s23], $0x1  }
0xa3: {  	[sflag:s23] =	ssyncset.done $0x0  }
0xa4: {  	s25 =	simm.s32 $0x1B8E;
	s24 =	sld [smem:$0x3FFE];
	[sflag:s23] =	ssyncadd.s32 $0xFFFFFFFF  }
0xa5: {  	s26 =	simm.s32 $execute0_lowered;
	[smem:$0x3FD2] =	sst s25  }
0xa6: {  	s5 =	sshll.u32 s26, $0x1;
	_ =	strace $0x80000046;
	[dreg:$0x1] =	wrdreg $0xFFFFFFFF  }
0xa7: {  	s28 =	simm.s32 $_size_execute0_lowered;
	s3 =	sadd.s32 s3, s5;
	[dreg:$0x0] =	wrdreg $0x0  }
0xa8: {  	s5 =	sshll.u32 s28, $0x1;
	[dreg:$0x2] =	wrdreg s3  }
0xa9: {  	[dreg:$0x3] =	wrdreg s5  }
0xaa: {  	[dreg:$0x4] =	wrdreg $0xC0  }
0xab: {  	_ =	task [dreg:s7], $0x5FFFF  }
0xac: {  	[dreg:$0x1] =	wrdreg $0xFFFFFFFF  }
0xad: {  	[dreg:$0x0] =	wrdreg $0x60  }
0xae: {  	[dreg:$0x2] =	wrdreg s24  }
0xaf: {  	[dreg:$0x3] =	wrdreg s2  }
0xb0: {  	[dreg:$0x4] =	wrdreg $0x9  }
0xb1: {  	_ =	task.clear_ibuf [dreg:s7], $0x5FFFF;
	_ =	strace $0x90000046  }
0xb2: {  	s29 =	simm.s32 $0x9;
	_ =	strace $0x80000048  }
0xb3: {  	_ =	swait.ge [sflag:s29], $0x1  }
0xb4: {  	[sflag:s29] =	ssyncadd.s32 $0xFFFFFFFF  }
0xb5: {  	_ =	strace $0x90000048  }
0xb6: {  	_ =	sfence  }
0xb7: {  	s30 =	sld [smem:$0x0];
	_ =	sdelay $0x2  }
0xb8: {  	s31 =	sshll.u32 s1, $0xD;
	s1 =	sshrl.u32 s1, $0x2  }
0xb9: {  	s3 =	sand.u32 $0x4000, s31;
	s1 =	sadd.s32 s1, s30  }
0xba: {  	s0 =	sor.u32 s3, s0;
	s1 =	sshll.u32 s1, $0x11  }
0xbb: {  	s0 =	sor.u32 s1, s0  }
0xbc: {  	s0 =	sadd.s32 $0x8F2B, s0  }
0xbd: {  	[sflag:s0] =	ssyncadd.remote.s32 $0x1  }
0xbe: {  	_ =	sfence.sel $0xFFFF  }
0xbf: {  	[dreg:$0x0] =	wrdreg $0xFFFFFFFF;
	(pc) =	sbr.abs _section_cstart, $3  }
0xc0: {  	[dreg:$0x1] =	wrdreg $0xFFFFFFFF  }
0xc1: {  	_ =	task.clear_ibuf [dreg:s7], $0x2FFFF;
	_ =	strace $0x9FFFFFFF  }
0xc2: {  	(tm) =	ssettm $0x7FFFFFFF  }
0xc3: {  	_ =	shalt  }
tec
execute0_lowered:
.L_overlay_start_1:
0x0: {  	(tag) =	ssettag $0x1  }
0x1: {  	s1 =	srdreg.scid  }
0x2: {  	s14 =	rddreg [dreg:$0x0];
	s0 =	stileid.u32;
	s15 =	sand.u32 $0x1, s1  }
0x3: {  	s3 =	rddreg [dreg:$0x1];
	s4 =	sshll.u32 s0, $0xA;
	s5 =	sshll.u32 s15, $0x9  }
0x4: {  	s2 =	simm.s32 $0x0;
	s1 =	rddreg [dreg:$0x2];
	s16 =	sor.u32 s5, s4  }
0x5: {  	[smem:$0x7FF] =	sst s2;
	s4 =	sshrl.u32 s16, $0x3  }
0x6: {  	_ =	strace $0x80000047;
	s4 =	sadd.s32 s3, s4;
	s3 =	simm.s32 $0x2  }
0x7: {  	[tilespmem:s2], [sflag:$0x2] =	stream.linear.gather [hbm4b:s4+s2], $0x200, $0x38;
	[tilespmem:$0x10200] =	vst v63  }
0x8: {  	_ =	swait.ge [sflag:s3], $0x200  }
0x9: {  	s6 =	simm.s32 $0x80;
	[sflag:s3] =	ssyncset.done $0x0  }
0xa: {  	s7 =	simm.s32 $0x200;
	s5 =	sadd.s32 $0x400, s14;
	[sflag:s3] =	ssyncadd.s32 $0xFFFFFE00  }
0xb: {  	[tilespmem:s7], [sflag:$0x1] =	stream.indirect.gather [hbm4b:s5+s6], $0x80, s2, s6, $0xb8;
	[tilespmem:$0x10200] =	vst v63  }
0xc: {  	s8 =	simm.s32 $0x4200  }
0xd: {  	[tilespmem:s8], [sflag:$0x1] =	stream.indirect.gather [hbm4b:s5+s6], $0x80, s6, s6, $0xb8;
	[tilespmem:$0x10200] =	vst v63  }
0xe: {  	s9 =	simm.s32 $0x100;
	s10 =	simm.s32 $0x8200  }
0xf: {  	[tilespmem:s10], [sflag:$0x1] =	stream.indirect.gather [hbm4b:s5+s6], $0x80, s9, s6, $0xb8;
	[tilespmem:$0x10200] =	vst v63  }
0x10: {  	s11 =	simm.s32 $0x180;
	s12 =	simm.s32 $0xC200;
	s13 =	simm.s32 $0x1  }
0x11: {  	[tilespmem:s12], [sflag:$0x1] =	stream.indirect.gather [hbm4b:s5+s6], $0x80, s11, s6, $0xb8;
	[tilespmem:$0x10200] =	vst v63  }
0x12: {  	_ =	swait.ge [sflag:s13], $0x4000  }
0x13: {  	[sflag:s13] =	ssyncset.done $0x0  }
0x14: {  	[sflag:s13] =	ssyncadd.s32 $0xFFFFC000  }
0x15: {  	_ =	swait.ge [sflag:s13], $0x4000  }
0x16: {  	[sflag:s13] =	ssyncset.done $0x0  }
0x17: {  	s15 =	ssub.s32 $0x2, s15;
	[sflag:s13] =	ssyncadd.s32 $0xFFFFC000  }
0x18: {  	s17 =	sshrl.u32 s15, $0x1;
	_ =	swait.ge [sflag:s13], $0x4000  }
0x19: {  	s15 =	ssub.s32 s15, s17;
	[sflag:s13] =	ssyncset.done $0x0  }
0x1a: {  	s15 =	smax.u32 s15, $0x1;
	[sflag:s13] =	ssyncadd.s32 $0xFFFFC000  }
0x1b: {  	s16 =	sshll.u32 s16, $0x4;
	p0 =	sne.s32 s15, $0x1;
	_ =	swait.ge [sflag:s13], $0x4000  }
.Ltmp0:
0x1c: {  	s14 =	sadd.s32 s16, s14;
	[sflag:s13] =	ssyncset.done $0x0;
	(pc) =	sbr.rel @!p0 .LBB2_2-.Ltmp0, $4  }
0x1d: {  	s14 =	sadd.s32 $0x40400, s14;
	[sflag:s13] =	ssyncadd.s32 $0xFFFFC000  }
0x1e: {  	[hbm4b:s14+s2] =	stream.linear.scatter [tilespmem:s7], [sflag:$0x2], $0x10000, $0x38;
	[tilespmem:$0x10200] =	vst v63  }
0x1f: {  	_ =	swait.ge [sflag:s3], $0x10000  }
0x20: {  	s15 =	sadd.s32 $0xFFFFFFFF, s15;
	[sflag:s3] =	ssyncset.done $0x0  }
.LBB2_1:
0x21: {  	p0 =	sne.s32 s15, $0x1;
	s15 =	sadd.s32 $0xFFFFFFFF, s15;
	[sflag:s3] =	ssyncadd.s32 $0xFFFF0000  }
0x22: {  	[tilespmem:s2], [sflag:$0x2] =	stream.linear.gather [hbm4b:s4+s2], $0x200, $0x38;
	[tilespmem:$0x10200] =	vst v63  }
0x23: {  	_ =	swait.ge [sflag:s3], $0x200  }
0x24: {  	[sflag:s3] =	ssyncset.done $0x0  }
0x25: {  	[sflag:s3] =	ssyncadd.s32 $0xFFFFFE00  }
0x26: {  	[tilespmem:s7], [sflag:$0x1] =	stream.indirect.gather [hbm4b:s5+s6], $0x80, s2, s6, $0xb8;
	[tilespmem:$0x10200] =	vst v63  }
0x27: {  	_ = 	snop  }
0x28: {  	[tilespmem:s8], [sflag:$0x1] =	stream.indirect.gather [hbm4b:s5+s6], $0x80, s6, s6, $0xb8;
	[tilespmem:$0x10200] =	vst v63  }
0x29: {  	_ = 	snop  }
0x2a: {  	[tilespmem:s10], [sflag:$0x1] =	stream.indirect.gather [hbm4b:s5+s6], $0x80, s9, s6, $0xb8;
	[tilespmem:$0x10200] =	vst v63  }
0x2b: {  	_ = 	snop  }
0x2c: {  	[tilespmem:s12], [sflag:$0x1] =	stream.indirect.gather [hbm4b:s5+s6], $0x80, s11, s6, $0xb8;
	[tilespmem:$0x10200] =	vst v63  }
0x2d: {  	_ =	swait.ge [sflag:s13], $0x4000  }
0x2e: {  	[sflag:s13] =	ssyncset.done $0x0  }
0x2f: {  	[sflag:s13] =	ssyncadd.s32 $0xFFFFC000  }
0x30: {  	_ =	swait.ge [sflag:s13], $0x4000  }
0x31: {  	[sflag:s13] =	ssyncset.done $0x0  }
0x32: {  	[sflag:s13] =	ssyncadd.s32 $0xFFFFC000  }
0x33: {  	_ =	swait.ge [sflag:s13], $0x4000  }
0x34: {  	[sflag:s13] =	ssyncset.done $0x0  }
0x35: {  	[sflag:s13] =	ssyncadd.s32 $0xFFFFC000  }
0x36: {  	_ =	swait.ge [sflag:s13], $0x4000  }
.Ltmp1:
0x37: {  	[sflag:s13] =	ssyncset.done $0x0;
	(pc) =	sbr.rel @p0 .LBB2_1-.Ltmp1, $4  }
0x38: {  	[sflag:s13] =	ssyncadd.s32 $0xFFFFC000  }
0x39: {  	[hbm4b:s14+s2] =	stream.linear.scatter [tilespmem:s7], [sflag:$0x2], $0x10000, $0x38;
	[tilespmem:$0x10200] =	vst v63  }
0x3a: {  	_ =	swait.ge [sflag:s3], $0x10000  }
0x3b: {  	[sflag:s3] =	ssyncset.done $0x0  }
.LBB2_2:
0x3c: {  	[sflag:s3] =	ssyncadd.s32 $0xFFFF0000  }
0x3d: {  	_ =	sfence.sel $0x180000  }
0x3e: {  	[bflag:$0x0] =	sbarrier.arrive $0xFFFF  }
0x3f: {  	p0 =	sne.s32 s0, $0x0;
	_ =	strace $0x90000047  }
0x40: {  	s0 =	sadd.s32 @!p0 $0x100000, s1;
	[bflag:$0x2] =	sbarrier.arrive $0xFFFF  }
0x41: {  	[sflag:s0] =	ssyncadd.tile.s32 @!p0 $0x1;
	_ =	shalt  }
.Lfunc_end2:
_tile_overlayer_lowered:
.L_overlay_start_2:
0x42: {  	(tag) =	ssettag $0x2  }
0x43: {  	s0 =	rddreg [dreg:$0x0];
	s2 =	stileid.u32  }
0x44: {  	s1 =	rddreg [dreg:$0x1];
	p0 =	sne.s32 s2, $0x0  }
0x45: {  	s3 =	rddreg [dreg:$0x2];
	[bflag:$0x3] =	sbarrier.arrive $0xFFFF;
	s2 =	simm.s32 @!p0 $0x1C02  }
0x46: {  	[timem:s3], [sflag:s2] =	dma.local @!p0 [hbm:s0], s1  }
0x47: {  	s0 =	simm.s32 @!p0 $0x2  }
0x48: {  	_ =	swait.ge @!p0 [sflag:s0], s1  }
0x49: {  	s1 =	ssub.s32 @!p0 $0x0, s1;
	[sflag:s0] =	ssyncset.done @!p0 $0x0  }
0x4a: {  	[sflag:s0] =	ssyncadd.s32 @!p0 s1  }
0x4b: {  	[bflag:$0x3] =	sbarrier.arrive $0xFFFF  }
0x4c: {  	_ =	shalt  }

</sc_bundles>
